<compile_context>
chip_gen: v7x
topology: tpu7x:2x2x1
jax: 0.10.2.dev20260603
libtpu: 0.0.44.dev20260713+nightly
codegen_flags: <defaults>
</compile_context>

<pallas_src>
import functools

import jax
import jax.numpy as jnp
from jax import lax
from jax.experimental import pallas as pl
from jax.experimental.pallas import tpu as pltpu
from jax.experimental.pallas import tpu_sc as plsc

V = 1000
D = 64
B = 16384
NCTX = 5

GROW = 128
NG = 8

NUM_SC = 2
NUM_TEC = 16
NW = NUM_SC * NUM_TEC
PAIRS_W = B // NW
ROW = 128
JROWS = PAIRS_W // ROW
BROWS = B // ROW


def _tc_body(ct_ref, tt_ref, p0_ref, p1_ref, m_ref, idx_ref):
    c = ct_ref[...].astype(jnp.bfloat16)
    tt = tt_ref[...].astype(jnp.bfloat16)
    for g in range(NG):
        w = min(GROW, V - g * GROW)
        t_g = tt[:, g * GROW : g * GROW + w]
        m_ref[pl.ds(g * V, V), 0:w] = lax.dot_general(
            c,
            t_g,
            dimension_numbers=(((0,), (0,)), ((), ())),
            preferred_element_type=jnp.float32,
        )
    p0 = p0_ref[...]
    tpart = lax.shift_right_logical(p0, 7) * (V * GROW) + lax.bitwise_and(
        p0, GROW - 1
    )
    for n in range(NCTX):
        idx_ref[pl.ds(n * BROWS, BROWS), :] = (
            p1_ref[pl.ds(n * BROWS, BROWS), :] * GROW + tpart
        )


def _tc_stage(context_table_t, target_table_t, p0_2d, p1_2d):
    return pl.pallas_call(
        _tc_body,
        out_shape=(
            jax.ShapeDtypeStruct((NG * V, GROW), jnp.float32),
            jax.ShapeDtypeStruct((NCTX * BROWS, ROW), jnp.int32),
        ),
    )(context_table_t, target_table_t, p0_2d, p1_2d)


_sc_mesh = plsc.VectorSubcoreMesh(core_axis_name="c", subcore_axis_name="s")


@functools.partial(
    pl.kernel,
    out_type=jax.ShapeDtypeStruct((8 * BROWS, ROW), jnp.float32),
    mesh=_sc_mesh,
    scratch_types=[
        pltpu.VMEM((NCTX * JROWS, ROW), jnp.int32),
        pltpu.VMEM((8 * JROWS, ROW), jnp.float32),
        pltpu.SemaphoreType.DMA,
        pltpu.SemaphoreType.DMA,
        pltpu.SemaphoreType.DMA,
    ],
)
def _sc_gather(idx_hbm, m_hbm, out_hbm, idx_v, vals_v, sem, sem_in, sem_out):
    wid = lax.axis_index("s") * NUM_SC + lax.axis_index("c")
    base_r = wid * JROWS
    in_copies = [
        pltpu.async_copy(
            idx_hbm.at[pl.ds(n * BROWS + base_r, JROWS)],
            idx_v.at[pl.ds(n * JROWS, JROWS)],
            sem_in,
        )
        for n in range(NCTX)
    ]
    gathers = []
    for n in range(NCTX):
        in_copies[n].wait()
        for j in range(JROWS):
            gathers.append(
                pltpu.async_copy(
                    m_hbm.at[idx_v.at[n * JROWS + j]],
                    vals_v.at[j * 8 + n],
                    sem,
                )
            )
    for g in gathers:
        g.wait()
    out_copies = [
        pltpu.async_copy(
            vals_v.at[pl.ds(j * 8, 8)],
            out_hbm.at[pl.ds((base_r + j) * 8, 8)],
            sem_out,
        )
        for j in range(JROWS)
    ]
    for c in out_copies:
        c.wait()


def kernel(pair_0, pair_1, target_table, context_table):
    p0_2d = pair_0.reshape(BROWS, ROW)
    p1_2d = pair_1.transpose(1, 2, 0).reshape(NCTX * BROWS, ROW)
    m2, idx = _tc_stage(context_table.T, target_table.T, p0_2d, p1_2d)
    out8 = _sc_gather(idx, m2.reshape(-1))
    return (
        out8.reshape(BROWS, 8, ROW)
        .transpose(0, 2, 1)
        .reshape(B, 8)[:, :NCTX]
    )

# --- scband reference (transcript-rebuilt; emitter-appended) ---
"""Pipeline reference for scband-word2-vec-83451214561513 (READ-ONLY COPY).

The authoritative reference and input builder live on the scoring server;
editing this copy changes nothing except your own understanding.
"""

import jax, jax.numpy as jnp
import numpy as np

V = 1000
D = 64
B = 16384
NC = 5

def setup_inputs(seed: int = 0) -> dict:
    key = jax.random.key(seed)
    k1, k2, k3, k4 = jax.random.split(key, 4)
    pair_0 = jax.random.randint(k1, (B, 1), 0, V, dtype=jnp.int32)
    pair_1 = jax.random.randint(k2, (B, NC, 1), 0, V, dtype=jnp.int32)
    target_table = jax.random.normal(k3, (V, D), dtype=jnp.float32) * 0.05
    context_table = jax.random.normal(k4, (V, D), dtype=jnp.float32) * 0.05
    return {"pair_0": pair_0, "pair_1": pair_1, "target_table": target_table, "context_table": context_table}

def reference(pair_0, pair_1, target_table, context_table):
    # taremb(pair[0]): gather from target embedding table -> [B, 1, D]
    word_emb = jnp.take(target_table, pair_0, axis=0)
    # conemb(pair[1]): gather from context embedding table -> [B, NC, 1, D]
    context_emb = jnp.take(context_table, pair_1, axis=0)
    # keras Dot(axes=(3,2)) on [context_emb, word_emb]: contract D axes -> [B, NC, 1, 1]
    dots = jnp.einsum('bnid,bjd->bnij', context_emb, word_emb)
    # Flatten -> [B, NC]; softmax=False default, so return raw logits
    return dots.reshape(dots.shape[0], -1)

if __name__ == "__main__":
    import jax
    _d = setup_inputs()
    print(jax.jit(kernel)(*tuple(_d.values())))

</pallas_src>

<mosaic_0001>
#map = affine_map<(d0, d1) -> (0, 0)>
#map1 = affine_map<(d0, d1) -> (0)>
module attributes {stable_mosaic.version = 14 : i64} {
  func.func @_sc_gather(%arg0: i32, %arg1: i32, %arg2: memref<640x128xi32, #tpu.memory_space<hbm>>, %arg3: memref<1024000xf32, #tpu.memory_space<hbm>>, %arg4: memref<1024x128xf32, #tpu.memory_space<hbm>>, %arg5: memref<20x128xi32, #tpu.memory_space<vmem>>, %arg6: memref<32x128xf32, #tpu.memory_space<vmem>>, %arg7: memref<!tpu.dma_semaphore, #tpu.memory_space<semaphore_mem>>, %arg8: memref<!tpu.dma_semaphore, #tpu.memory_space<semaphore_mem>>, %arg9: memref<!tpu.dma_semaphore, #tpu.memory_space<semaphore_mem>>) attributes {dimension_semantics = [#tpu.dimension_semantics<core_parallel>, #tpu.dimension_semantics<subcore_parallel>], iteration_bounds = array<i64: 2, 16>, scalar_prefetch = 0 : i64, scratch_operands = 5 : i64, tpu.core_type = #tpu.core_type<sc_vector_subcore>, window_params = [{transform_indices = #map}, {transform_indices = #map1}, {transform_indices = #map}]} {
    %mul3A = arith.constant 2 : i32
    %mul3A_0 = arith.muli %arg1, %mul3A : i32
    %add3A = arith.addi %mul3A_0, %arg0 : i32
    %mul3A_1 = arith.constant 4 : i32
    %mul3A_2 = arith.muli %add3A, %mul3A_1 : i32
    %add3A_3 = arith.constant 0 : i32
    %add3A_4 = arith.addi %add3A_3, %mul3A_2 : i32
    %dma_start3A = arith.constant 0 : i32
    %dma_start3A_5 = arith.constant 0 : i32
    %dma_start3A_6 = tpu.memref_slice %arg5[%dma_start3A, %dma_start3A_5] : memref<20x128xi32, #tpu.memory_space<vmem>> -> memref<4x128xi32, #tpu.memory_space<vmem>>
    %dma_start3A_7 = arith.constant 0 : i32
    %dma_start3A_8 = tpu.memref_slice %arg2[%add3A_4, %dma_start3A_7] : memref<640x128xi32, #tpu.memory_space<hbm>> -> memref<4x128xi32, #tpu.memory_space<hbm>>
    %dma_start3A_9 = arith.constant 0 : i32
    %dma_start3A_10 = arith.constant 0 : i32
    %dma_start3A_11 = tpu.memref_slice %arg5[%dma_start3A_9, %dma_start3A_10] : memref<20x128xi32, #tpu.memory_space<vmem>> -> memref<4x128xi32, #tpu.memory_space<vmem>>
    %dma_start3A_12 = arith.constant 0 : i32
    %dma_start3A_13 = tpu.memref_slice %arg2[%add3A_4, %dma_start3A_12] : memref<640x128xi32, #tpu.memory_space<hbm>> -> memref<4x128xi32, #tpu.memory_space<hbm>>
    tpu.enqueue_dma source(%dma_start3A_13 : memref<4x128xi32, #tpu.memory_space<hbm>>) target(%dma_start3A_11 : memref<4x128xi32, #tpu.memory_space<vmem>>) target_semaphore(%arg8 : memref<!tpu.dma_semaphore, #tpu.memory_space<semaphore_mem>>)
    %add3A_14 = arith.constant 128 : i32
    %add3A_15 = arith.addi %add3A_14, %mul3A_2 : i32
    %dma_start3A_16 = arith.constant 4 : i32
    %dma_start3A_17 = arith.constant 0 : i32
    %dma_start3A_18 = tpu.memref_slice %arg5[%dma_start3A_16, %dma_start3A_17] : memref<20x128xi32, #tpu.memory_space<vmem>> -> memref<4x128xi32, #tpu.memory_space<vmem>>
    %dma_start3A_19 = arith.constant 0 : i32
    %dma_start3A_20 = tpu.memref_slice %arg2[%add3A_15, %dma_start3A_19] : memref<640x128xi32, #tpu.memory_space<hbm>> -> memref<4x128xi32, #tpu.memory_space<hbm>>
    %dma_start3A_21 = arith.constant 4 : i32
    %dma_start3A_22 = arith.constant 0 : i32
    %dma_start3A_23 = tpu.memref_slice %arg5[%dma_start3A_21, %dma_start3A_22] : memref<20x128xi32, #tpu.memory_space<vmem>> -> memref<4x128xi32, #tpu.memory_space<vmem>>
    %dma_start3A_24 = arith.constant 0 : i32
    %dma_start3A_25 = tpu.memref_slice %arg2[%add3A_15, %dma_start3A_24] : memref<640x128xi32, #tpu.memory_space<hbm>> -> memref<4x128xi32, #tpu.memory_space<hbm>>
    tpu.enqueue_dma source(%dma_start3A_25 : memref<4x128xi32, #tpu.memory_space<hbm>>) target(%dma_start3A_23 : memref<4x128xi32, #tpu.memory_space<vmem>>) target_semaphore(%arg8 : memref<!tpu.dma_semaphore, #tpu.memory_space<semaphore_mem>>)
    %add3A_26 = arith.constant 256 : i32
    %add3A_27 = arith.addi %add3A_26, %mul3A_2 : i32
    %dma_start3A_28 = arith.constant 8 : i32
    %dma_start3A_29 = arith.constant 0 : i32
    %dma_start3A_30 = tpu.memref_slice %arg5[%dma_start3A_28, %dma_start3A_29] : memref<20x128xi32, #tpu.memory_space<vmem>> -> memref<4x128xi32, #tpu.memory_space<vmem>>
    %dma_start3A_31 = arith.constant 0 : i32
    %dma_start3A_32 = tpu.memref_slice %arg2[%add3A_27, %dma_start3A_31] : memref<640x128xi32, #tpu.memory_space<hbm>> -> memref<4x128xi32, #tpu.memory_space<hbm>>
    %dma_start3A_33 = arith.constant 8 : i32
    %dma_start3A_34 = arith.constant 0 : i32
    %dma_start3A_35 = tpu.memref_slice %arg5[%dma_start3A_33, %dma_start3A_34] : memref<20x128xi32, #tpu.memory_space<vmem>> -> memref<4x128xi32, #tpu.memory_space<vmem>>
    %dma_start3A_36 = arith.constant 0 : i32
    %dma_start3A_37 = tpu.memref_slice %arg2[%add3A_27, %dma_start3A_36] : memref<640x128xi32, #tpu.memory_space<hbm>> -> memref<4x128xi32, #tpu.memory_space<hbm>>
    tpu.enqueue_dma source(%dma_start3A_37 : memref<4x128xi32, #tpu.memory_space<hbm>>) target(%dma_start3A_35 : memref<4x128xi32, #tpu.memory_space<vmem>>) target_semaphore(%arg8 : memref<!tpu.dma_semaphore, #tpu.memory_space<semaphore_mem>>)
    %add3A_38 = arith.constant 384 : i32
    %add3A_39 = arith.addi %add3A_38, %mul3A_2 : i32
    %dma_start3A_40 = arith.constant 12 : i32
    %dma_start3A_41 = arith.constant 0 : i32
    %dma_start3A_42 = tpu.memref_slice %arg5[%dma_start3A_40, %dma_start3A_41] : memref<20x128xi32, #tpu.memory_space<vmem>> -> memref<4x128xi32, #tpu.memory_space<vmem>>
    %dma_start3A_43 = arith.constant 0 : i32
    %dma_start3A_44 = tpu.memref_slice %arg2[%add3A_39, %dma_start3A_43] : memref<640x128xi32, #tpu.memory_space<hbm>> -> memref<4x128xi32, #tpu.memory_space<hbm>>
    %dma_start3A_45 = arith.constant 12 : i32
    %dma_start3A_46 = arith.constant 0 : i32
    %dma_start3A_47 = tpu.memref_slice %arg5[%dma_start3A_45, %dma_start3A_46] : memref<20x128xi32, #tpu.memory_space<vmem>> -> memref<4x128xi32, #tpu.memory_space<vmem>>
    %dma_start3A_48 = arith.constant 0 : i32
    %dma_start3A_49 = tpu.memref_slice %arg2[%add3A_39, %dma_start3A_48] : memref<640x128xi32, #tpu.memory_space<hbm>> -> memref<4x128xi32, #tpu.memory_space<hbm>>
    tpu.enqueue_dma source(%dma_start3A_49 : memref<4x128xi32, #tpu.memory_space<hbm>>) target(%dma_start3A_47 : memref<4x128xi32, #tpu.memory_space<vmem>>) target_semaphore(%arg8 : memref<!tpu.dma_semaphore, #tpu.memory_space<semaphore_mem>>)
    %add3A_50 = arith.constant 512 : i32
    %add3A_51 = arith.addi %add3A_50, %mul3A_2 : i32
    %dma_start3A_52 = arith.constant 16 : i32
    %dma_start3A_53 = arith.constant 0 : i32
    %dma_start3A_54 = tpu.memref_slice %arg5[%dma_start3A_52, %dma_start3A_53] : memref<20x128xi32, #tpu.memory_space<vmem>> -> memref<4x128xi32, #tpu.memory_space<vmem>>
    %dma_start3A_55 = arith.constant 0 : i32
    %dma_start3A_56 = tpu.memref_slice %arg2[%add3A_51, %dma_start3A_55] : memref<640x128xi32, #tpu.memory_space<hbm>> -> memref<4x128xi32, #tpu.memory_space<hbm>>
    %dma_start3A_57 = arith.constant 16 : i32
    %dma_start3A_58 = arith.constant 0 : i32
    %dma_start3A_59 = tpu.memref_slice %arg5[%dma_start3A_57, %dma_start3A_58] : memref<20x128xi32, #tpu.memory_space<vmem>> -> memref<4x128xi32, #tpu.memory_space<vmem>>
    %dma_start3A_60 = arith.constant 0 : i32
    %dma_start3A_61 = tpu.memref_slice %arg2[%add3A_51, %dma_start3A_60] : memref<640x128xi32, #tpu.memory_space<hbm>> -> memref<4x128xi32, #tpu.memory_space<hbm>>
    tpu.enqueue_dma source(%dma_start3A_61 : memref<4x128xi32, #tpu.memory_space<hbm>>) target(%dma_start3A_59 : memref<4x128xi32, #tpu.memory_space<vmem>>) target_semaphore(%arg8 : memref<!tpu.dma_semaphore, #tpu.memory_space<semaphore_mem>>)
    %dma_wait3A = arith.constant 0 : i32
    %dma_wait3A_62 = arith.constant 0 : i32
    %dma_wait3A_63 = tpu.memref_slice %arg5[%dma_wait3A, %dma_wait3A_62] : memref<20x128xi32, #tpu.memory_space<vmem>> -> memref<4x128xi32, #tpu.memory_space<vmem>>
    %dma_wait3A_64 = arith.constant 0 : i32
    %dma_wait3A_65 = tpu.memref_slice %arg2[%add3A_4, %dma_wait3A_64] : memref<640x128xi32, #tpu.memory_space<hbm>> -> memref<4x128xi32, #tpu.memory_space<hbm>>
    %dma_wait3A_66 = arith.constant 0 : i32
    %dma_wait3A_67 = arith.constant 0 : i32
    %dma_wait3A_68 = tpu.memref_slice %arg5[%dma_wait3A_66, %dma_wait3A_67] : memref<20x128xi32, #tpu.memory_space<vmem>> -> memref<4x128xi32, #tpu.memory_space<vmem>>
    %dma_wait3A_69 = arith.constant 0 : i32
    %dma_wait3A_70 = tpu.memref_slice %arg2[%add3A_4, %dma_wait3A_69] : memref<640x128xi32, #tpu.memory_space<hbm>> -> memref<4x128xi32, #tpu.memory_space<hbm>>
    tpu.wait_dma2 semaphore(%arg8 : memref<!tpu.dma_semaphore, #tpu.memory_space<semaphore_mem>>) src(%dma_wait3A_70 : memref<4x128xi32, #tpu.memory_space<hbm>>) dst(%dma_wait3A_68 : memref<4x128xi32, #tpu.memory_space<vmem>>)
    %dma_start3A_71 = arith.constant 0 : i32
    %dma_start3A_72 = arith.constant 0 : i32
    %dma_start3A_73 = arith.constant 0 : i32
    %dma_start3A_74 = tpu.memref_slice %arg6[%dma_start3A_72, %dma_start3A_73] : memref<32x128xf32, #tpu.memory_space<vmem>> -> memref<1x128xf32, #tpu.memory_space<vmem>>
    %dma_start3A_75 = tpu.memref_squeeze %dma_start3A_74 : memref<1x128xf32, #tpu.memory_space<vmem>> -> memref<128xf32, #tpu.memory_space<vmem>>
    %dma_start3A_76 = arith.constant 0 : i32
    %dma_start3A_77 = tpu.memref_slice %arg5[%dma_start3A_71, %dma_start3A_76] : memref<20x128xi32, #tpu.memory_space<vmem>> -> memref<1x128xi32, #tpu.memory_space<vmem>>
    %dma_start3A_78 = tpu.memref_squeeze %dma_start3A_77 : memref<1x128xi32, #tpu.memory_space<vmem>> -> memref<128xi32, #tpu.memory_space<vmem>>
    %dma_start3A_79 = arith.constant 0 : i32
    %dma_start3A_80 = tpu.memref_slice %arg3[%dma_start3A_79] : memref<1024000xf32, #tpu.memory_space<hbm>> -> memref<1024000xf32, #tpu.memory_space<hbm>>
    tpu.enqueue_indirect_dma source(%dma_start3A_80 : memref<1024000xf32, #tpu.memory_space<hbm>>) target(%dma_start3A_75 : memref<128xf32, #tpu.memory_space<vmem>>) offsets(%dma_start3A_78 : memref<128xi32, #tpu.memory_space<vmem>>) semaphore(%arg7 : memref<!tpu.dma_semaphore, #tpu.memory_space<semaphore_mem>>)
    %dma_start3A_81 = arith.constant 1 : i32
    %dma_start3A_82 = arith.constant 8 : i32
    %dma_start3A_83 = arith.constant 0 : i32
    %dma_start3A_84 = tpu.memref_slice %arg6[%dma_start3A_82, %dma_start3A_83] : memref<32x128xf32, #tpu.memory_space<vmem>> -> memref<1x128xf32, #tpu.memory_space<vmem>>
    %dma_start3A_85 = tpu.memref_squeeze %dma_start3A_84 : memref<1x128xf32, #tpu.memory_space<vmem>> -> memref<128xf32, #tpu.memory_space<vmem>>
    %dma_start3A_86 = arith.constant 0 : i32
    %dma_start3A_87 = tpu.memref_slice %arg5[%dma_start3A_81, %dma_start3A_86] : memref<20x128xi32, #tpu.memory_space<vmem>> -> memref<1x128xi32, #tpu.memory_space<vmem>>
    %dma_start3A_88 = tpu.memref_squeeze %dma_start3A_87 : memref<1x128xi32, #tpu.memory_space<vmem>> -> memref<128xi32, #tpu.memory_space<vmem>>
    %dma_start3A_89 = arith.constant 0 : i32
    %dma_start3A_90 = tpu.memref_slice %arg3[%dma_start3A_89] : memref<1024000xf32, #tpu.memory_space<hbm>> -> memref<1024000xf32, #tpu.memory_space<hbm>>
    tpu.enqueue_indirect_dma source(%dma_start3A_90 : memref<1024000xf32, #tpu.memory_space<hbm>>) target(%dma_start3A_85 : memref<128xf32, #tpu.memory_space<vmem>>) offsets(%dma_start3A_88 : memref<128xi32, #tpu.memory_space<vmem>>) semaphore(%arg7 : memref<!tpu.dma_semaphore, #tpu.memory_space<semaphore_mem>>)
    %dma_start3A_91 = arith.constant 2 : i32
    %dma_start3A_92 = arith.constant 16 : i32
    %dma_start3A_93 = arith.constant 0 : i32
    %dma_start3A_94 = tpu.memref_slice %arg6[%dma_start3A_92, %dma_start3A_93] : memref<32x128xf32, #tpu.memory_space<vmem>> -> memref<1x128xf32, #tpu.memory_space<vmem>>
    %dma_start3A_95 = tpu.memref_squeeze %dma_start3A_94 : memref<1x128xf32, #tpu.memory_space<vmem>> -> memref<128xf32, #tpu.memory_space<vmem>>
    %dma_start3A_96 = arith.constant 0 : i32
    %dma_start3A_97 = tpu.memref_slice %arg5[%dma_start3A_91, %dma_start3A_96] : memref<20x128xi32, #tpu.memory_space<vmem>> -> memref<1x128xi32, #tpu.memory_space<vmem>>
    %dma_start3A_98 = tpu.memref_squeeze %dma_start3A_97 : memref<1x128xi32, #tpu.memory_space<vmem>> -> memref<128xi32, #tpu.memory_space<vmem>>
    %dma_start3A_99 = arith.constant 0 : i32
    %dma_start3A_100 = tpu.memref_slice %arg3[%dma_start3A_99] : memref<1024000xf32, #tpu.memory_space<hbm>> -> memref<1024000xf32, #tpu.memory_space<hbm>>
    tpu.enqueue_indirect_dma source(%dma_start3A_100 : memref<1024000xf32, #tpu.memory_space<hbm>>) target(%dma_start3A_95 : memref<128xf32, #tpu.memory_space<vmem>>) offsets(%dma_start3A_98 : memref<128xi32, #tpu.memory_space<vmem>>) semaphore(%arg7 : memref<!tpu.dma_semaphore, #tpu.memory_space<semaphore_mem>>)
    %dma_start3A_101 = arith.constant 3 : i32
    %dma_start3A_102 = arith.constant 24 : i32
    %dma_start3A_103 = arith.constant 0 : i32
    %dma_start3A_104 = tpu.memref_slice %arg6[%dma_start3A_102, %dma_start3A_103] : memref<32x128xf32, #tpu.memory_space<vmem>> -> memref<1x128xf32, #tpu.memory_space<vmem>>
    %dma_start3A_105 = tpu.memref_squeeze %dma_start3A_104 : memref<1x128xf32, #tpu.memory_space<vmem>> -> memref<128xf32, #tpu.memory_space<vmem>>
    %dma_start3A_106 = arith.constant 0 : i32
    %dma_start3A_107 = tpu.memref_slice %arg5[%dma_start3A_101, %dma_start3A_106] : memref<20x128xi32, #tpu.memory_space<vmem>> -> memref<1x128xi32, #tpu.memory_space<vmem>>
    %dma_start3A_108 = tpu.memref_squeeze %dma_start3A_107 : memref<1x128xi32, #tpu.memory_space<vmem>> -> memref<128xi32, #tpu.memory_space<vmem>>
    %dma_start3A_109 = arith.constant 0 : i32
    %dma_start3A_110 = tpu.memref_slice %arg3[%dma_start3A_109] : memref<1024000xf32, #tpu.memory_space<hbm>> -> memref<1024000xf32, #tpu.memory_space<hbm>>
    tpu.enqueue_indirect_dma source(%dma_start3A_110 : memref<1024000xf32, #tpu.memory_space<hbm>>) target(%dma_start3A_105 : memref<128xf32, #tpu.memory_space<vmem>>) offsets(%dma_start3A_108 : memref<128xi32, #tpu.memory_space<vmem>>) semaphore(%arg7 : memref<!tpu.dma_semaphore, #tpu.memory_space<semaphore_mem>>)
    %dma_wait3A_111 = arith.constant 4 : i32
    %dma_wait3A_112 = arith.constant 0 : i32
    %dma_wait3A_113 = tpu.memref_slice %arg5[%dma_wait3A_111, %dma_wait3A_112] : memref<20x128xi32, #tpu.memory_space<vmem>> -> memref<4x128xi32, #tpu.memory_space<vmem>>
    %dma_wait3A_114 = arith.constant 0 : i32
    %dma_wait3A_115 = tpu.memref_slice %arg2[%add3A_15, %dma_wait3A_114] : memref<640x128xi32, #tpu.memory_space<hbm>> -> memref<4x128xi32, #tpu.memory_space<hbm>>
    %dma_wait3A_116 = arith.constant 4 : i32
    %dma_wait3A_117 = arith.constant 0 : i32
    %dma_wait3A_118 = tpu.memref_slice %arg5[%dma_wait3A_116, %dma_wait3A_117] : memref<20x128xi32, #tpu.memory_space<vmem>> -> memref<4x128xi32, #tpu.memory_space<vmem>>
    %dma_wait3A_119 = arith.constant 0 : i32
    %dma_wait3A_120 = tpu.memref_slice %arg2[%add3A_15, %dma_wait3A_119] : memref<640x128xi32, #tpu.memory_space<hbm>> -> memref<4x128xi32, #tpu.memory_space<hbm>>
    tpu.wait_dma2 semaphore(%arg8 : memref<!tpu.dma_semaphore, #tpu.memory_space<semaphore_mem>>) src(%dma_wait3A_120 : memref<4x128xi32, #tpu.memory_space<hbm>>) dst(%dma_wait3A_118 : memref<4x128xi32, #tpu.memory_space<vmem>>)
    %dma_start3A_121 = arith.constant 4 : i32
    %dma_start3A_122 = arith.constant 1 : i32
    %dma_start3A_123 = arith.constant 0 : i32
    %dma_start3A_124 = tpu.memref_slice %arg6[%dma_start3A_122, %dma_start3A_123] : memref<32x128xf32, #tpu.memory_space<vmem>> -> memref<1x128xf32, #tpu.memory_space<vmem>>
    %dma_start3A_125 = tpu.memref_squeeze %dma_start3A_124 : memref<1x128xf32, #tpu.memory_space<vmem>> -> memref<128xf32, #tpu.memory_space<vmem>>
    %dma_start3A_126 = arith.constant 0 : i32
    %dma_start3A_127 = tpu.memref_slice %arg5[%dma_start3A_121, %dma_start3A_126] : memref<20x128xi32, #tpu.memory_space<vmem>> -> memref<1x128xi32, #tpu.memory_space<vmem>>
    %dma_start3A_128 = tpu.memref_squeeze %dma_start3A_127 : memref<1x128xi32, #tpu.memory_space<vmem>> -> memref<128xi32, #tpu.memory_space<vmem>>
    %dma_start3A_129 = arith.constant 0 : i32
    %dma_start3A_130 = tpu.memref_slice %arg3[%dma_start3A_129] : memref<1024000xf32, #tpu.memory_space<hbm>> -> memref<1024000xf32, #tpu.memory_space<hbm>>
    tpu.enqueue_indirect_dma source(%dma_start3A_130 : memref<1024000xf32, #tpu.memory_space<hbm>>) target(%dma_start3A_125 : memref<128xf32, #tpu.memory_space<vmem>>) offsets(%dma_start3A_128 : memref<128xi32, #tpu.memory_space<vmem>>) semaphore(%arg7 : memref<!tpu.dma_semaphore, #tpu.memory_space<semaphore_mem>>)
    %dma_start3A_131 = arith.constant 5 : i32
    %dma_start3A_132 = arith.constant 9 : i32
    %dma_start3A_133 = arith.constant 0 : i32
    %dma_start3A_134 = tpu.memref_slice %arg6[%dma_start3A_132, %dma_start3A_133] : memref<32x128xf32, #tpu.memory_space<vmem>> -> memref<1x128xf32, #tpu.memory_space<vmem>>
    %dma_start3A_135 = tpu.memref_squeeze %dma_start3A_134 : memref<1x128xf32, #tpu.memory_space<vmem>> -> memref<128xf32, #tpu.memory_space<vmem>>
    %dma_start3A_136 = arith.constant 0 : i32
    %dma_start3A_137 = tpu.memref_slice %arg5[%dma_start3A_131, %dma_start3A_136] : memref<20x128xi32, #tpu.memory_space<vmem>> -> memref<1x128xi32, #tpu.memory_space<vmem>>
    %dma_start3A_138 = tpu.memref_squeeze %dma_start3A_137 : memref<1x128xi32, #tpu.memory_space<vmem>> -> memref<128xi32, #tpu.memory_space<vmem>>
    %dma_start3A_139 = arith.constant 0 : i32
    %dma_start3A_140 = tpu.memref_slice %arg3[%dma_start3A_139] : memref<1024000xf32, #tpu.memory_space<hbm>> -> memref<1024000xf32, #tpu.memory_space<hbm>>
    tpu.enqueue_indirect_dma source(%dma_start3A_140 : memref<1024000xf32, #tpu.memory_space<hbm>>) target(%dma_start3A_135 : memref<128xf32, #tpu.memory_space<vmem>>) offsets(%dma_start3A_138 : memref<128xi32, #tpu.memory_space<vmem>>) semaphore(%arg7 : memref<!tpu.dma_semaphore, #tpu.memory_space<semaphore_mem>>)
    %dma_start3A_141 = arith.constant 6 : i32
    %dma_start3A_142 = arith.constant 17 : i32
    %dma_start3A_143 = arith.constant 0 : i32
    %dma_start3A_144 = tpu.memref_slice %arg6[%dma_start3A_142, %dma_start3A_143] : memref<32x128xf32, #tpu.memory_space<vmem>> -> memref<1x128xf32, #tpu.memory_space<vmem>>
    %dma_start3A_145 = tpu.memref_squeeze %dma_start3A_144 : memref<1x128xf32, #tpu.memory_space<vmem>> -> memref<128xf32, #tpu.memory_space<vmem>>
    %dma_start3A_146 = arith.constant 0 : i32
    %dma_start3A_147 = tpu.memref_slice %arg5[%dma_start3A_141, %dma_start3A_146] : memref<20x128xi32, #tpu.memory_space<vmem>> -> memref<1x128xi32, #tpu.memory_space<vmem>>
    %dma_start3A_148 = tpu.memref_squeeze %dma_start3A_147 : memref<1x128xi32, #tpu.memory_space<vmem>> -> memref<128xi32, #tpu.memory_space<vmem>>
    %dma_start3A_149 = arith.constant 0 : i32
    %dma_start3A_150 = tpu.memref_slice %arg3[%dma_start3A_149] : memref<1024000xf32, #tpu.memory_space<hbm>> -> memref<1024000xf32, #tpu.memory_space<hbm>>
    tpu.enqueue_indirect_dma source(%dma_start3A_150 : memref<1024000xf32, #tpu.memory_space<hbm>>) target(%dma_start3A_145 : memref<128xf32, #tpu.memory_space<vmem>>) offsets(%dma_start3A_148 : memref<128xi32, #tpu.memory_space<vmem>>) semaphore(%arg7 : memref<!tpu.dma_semaphore, #tpu.memory_space<semaphore_mem>>)
    %dma_start3A_151 = arith.constant 7 : i32
    %dma_start3A_152 = arith.constant 25 : i32
    %dma_start3A_153 = arith.constant 0 : i32
    %dma_start3A_154 = tpu.memref_slice %arg6[%dma_start3A_152, %dma_start3A_153] : memref<32x128xf32, #tpu.memory_space<vmem>> -> memref<1x128xf32, #tpu.memory_space<vmem>>
    %dma_start3A_155 = tpu.memref_squeeze %dma_start3A_154 : memref<1x128xf32, #tpu.memory_space<vmem>> -> memref<128xf32, #tpu.memory_space<vmem>>
    %dma_start3A_156 = arith.constant 0 : i32
    %dma_start3A_157 = tpu.memref_slice %arg5[%dma_start3A_151, %dma_start3A_156] : memref<20x128xi32, #tpu.memory_space<vmem>> -> memref<1x128xi32, #tpu.memory_space<vmem>>
    %dma_start3A_158 = tpu.memref_squeeze %dma_start3A_157 : memref<1x128xi32, #tpu.memory_space<vmem>> -> memref<128xi32, #tpu.memory_space<vmem>>
    %dma_start3A_159 = arith.constant 0 : i32
    %dma_start3A_160 = tpu.memref_slice %arg3[%dma_start3A_159] : memref<1024000xf32, #tpu.memory_space<hbm>> -> memref<1024000xf32, #tpu.memory_space<hbm>>
    tpu.enqueue_indirect_dma source(%dma_start3A_160 : memref<1024000xf32, #tpu.memory_space<hbm>>) target(%dma_start3A_155 : memref<128xf32, #tpu.memory_space<vmem>>) offsets(%dma_start3A_158 : memref<128xi32, #tpu.memory_space<vmem>>) semaphore(%arg7 : memref<!tpu.dma_semaphore, #tpu.memory_space<semaphore_mem>>)
    %dma_wait3A_161 = arith.constant 8 : i32
    %dma_wait3A_162 = arith.constant 0 : i32
    %dma_wait3A_163 = tpu.memref_slice %arg5[%dma_wait3A_161, %dma_wait3A_162] : memref<20x128xi32, #tpu.memory_space<vmem>> -> memref<4x128xi32, #tpu.memory_space<vmem>>
    %dma_wait3A_164 = arith.constant 0 : i32
    %dma_wait3A_165 = tpu.memref_slice %arg2[%add3A_27, %dma_wait3A_164] : memref<640x128xi32, #tpu.memory_space<hbm>> -> memref<4x128xi32, #tpu.memory_space<hbm>>
    %dma_wait3A_166 = arith.constant 8 : i32
    %dma_wait3A_167 = arith.constant 0 : i32
    %dma_wait3A_168 = tpu.memref_slice %arg5[%dma_wait3A_166, %dma_wait3A_167] : memref<20x128xi32, #tpu.memory_space<vmem>> -> memref<4x128xi32, #tpu.memory_space<vmem>>
    %dma_wait3A_169 = arith.constant 0 : i32
    %dma_wait3A_170 = tpu.memref_slice %arg2[%add3A_27, %dma_wait3A_169] : memref<640x128xi32, #tpu.memory_space<hbm>> -> memref<4x128xi32, #tpu.memory_space<hbm>>
    tpu.wait_dma2 semaphore(%arg8 : memref<!tpu.dma_semaphore, #tpu.memory_space<semaphore_mem>>) src(%dma_wait3A_170 : memref<4x128xi32, #tpu.memory_space<hbm>>) dst(%dma_wait3A_168 : memref<4x128xi32, #tpu.memory_space<vmem>>)
    %dma_start3A_171 = arith.constant 8 : i32
    %dma_start3A_172 = arith.constant 2 : i32
    %dma_start3A_173 = arith.constant 0 : i32
    %dma_start3A_174 = tpu.memref_slice %arg6[%dma_start3A_172, %dma_start3A_173] : memref<32x128xf32, #tpu.memory_space<vmem>> -> memref<1x128xf32, #tpu.memory_space<vmem>>
    %dma_start3A_175 = tpu.memref_squeeze %dma_start3A_174 : memref<1x128xf32, #tpu.memory_space<vmem>> -> memref<128xf32, #tpu.memory_space<vmem>>
    %dma_start3A_176 = arith.constant 0 : i32
    %dma_start3A_177 = tpu.memref_slice %arg5[%dma_start3A_171, %dma_start3A_176] : memref<20x128xi32, #tpu.memory_space<vmem>> -> memref<1x128xi32, #tpu.memory_space<vmem>>
    %dma_start3A_178 = tpu.memref_squeeze %dma_start3A_177 : memref<1x128xi32, #tpu.memory_space<vmem>> -> memref<128xi32, #tpu.memory_space<vmem>>
    %dma_start3A_179 = arith.constant 0 : i32
    %dma_start3A_180 = tpu.memref_slice %arg3[%dma_start3A_179] : memref<1024000xf32, #tpu.memory_space<hbm>> -> memref<1024000xf32, #tpu.memory_space<hbm>>
    tpu.enqueue_indirect_dma source(%dma_start3A_180 : memref<1024000xf32, #tpu.memory_space<hbm>>) target(%dma_start3A_175 : memref<128xf32, #tpu.memory_space<vmem>>) offsets(%dma_start3A_178 : memref<128xi32, #tpu.memory_space<vmem>>) semaphore(%arg7 : memref<!tpu.dma_semaphore, #tpu.memory_space<semaphore_mem>>)
    %dma_start3A_181 = arith.constant 9 : i32
    %dma_start3A_182 = arith.constant 10 : i32
    %dma_start3A_183 = arith.constant 0 : i32
    %dma_start3A_184 = tpu.memref_slice %arg6[%dma_start3A_182, %dma_start3A_183] : memref<32x128xf32, #tpu.memory_space<vmem>> -> memref<1x128xf32, #tpu.memory_space<vmem>>
    %dma_start3A_185 = tpu.memref_squeeze %dma_start3A_184 : memref<1x128xf32, #tpu.memory_space<vmem>> -> memref<128xf32, #tpu.memory_space<vmem>>
    %dma_start3A_186 = arith.constant 0 : i32
    %dma_start3A_187 = tpu.memref_slice %arg5[%dma_start3A_181, %dma_start3A_186] : memref<20x128xi32, #tpu.memory_space<vmem>> -> memref<1x128xi32, #tpu.memory_space<vmem>>
    %dma_start3A_188 = tpu.memref_squeeze %dma_start3A_187 : memref<1x128xi32, #tpu.memory_space<vmem>> -> memref<128xi32, #tpu.memory_space<vmem>>
    %dma_start3A_189 = arith.constant 0 : i32
    %dma_start3A_190 = tpu.memref_slice %arg3[%dma_start3A_189] : memref<1024000xf32, #tpu.memory_space<hbm>> -> memref<1024000xf32, #tpu.memory_space<hbm>>
    tpu.enqueue_indirect_dma source(%dma_start3A_190 : memref<1024000xf32, #tpu.memory_space<hbm>>) target(%dma_start3A_185 : memref<128xf32, #tpu.memory_space<vmem>>) offsets(%dma_start3A_188 : memref<128xi32, #tpu.memory_space<vmem>>) semaphore(%arg7 : memref<!tpu.dma_semaphore, #tpu.memory_space<semaphore_mem>>)
    %dma_start3A_191 = arith.constant 10 : i32
    %dma_start3A_192 = arith.constant 18 : i32
    %dma_start3A_193 = arith.constant 0 : i32
    %dma_start3A_194 = tpu.memref_slice %arg6[%dma_start3A_192, %dma_start3A_193] : memref<32x128xf32, #tpu.memory_space<vmem>> -> memref<1x128xf32, #tpu.memory_space<vmem>>
    %dma_start3A_195 = tpu.memref_squeeze %dma_start3A_194 : memref<1x128xf32, #tpu.memory_space<vmem>> -> memref<128xf32, #tpu.memory_space<vmem>>
    %dma_start3A_196 = arith.constant 0 : i32
    %dma_start3A_197 = tpu.memref_slice %arg5[%dma_start3A_191, %dma_start3A_196] : memref<20x128xi32, #tpu.memory_space<vmem>> -> memref<1x128xi32, #tpu.memory_space<vmem>>
    %dma_start3A_198 = tpu.memref_squeeze %dma_start3A_197 : memref<1x128xi32, #tpu.memory_space<vmem>> -> memref<128xi32, #tpu.memory_space<vmem>>
    %dma_start3A_199 = arith.constant 0 : i32
    %dma_start3A_200 = tpu.memref_slice %arg3[%dma_start3A_199] : memref<1024000xf32, #tpu.memory_space<hbm>> -> memref<1024000xf32, #tpu.memory_space<hbm>>
    tpu.enqueue_indirect_dma source(%dma_start3A_200 : memref<1024000xf32, #tpu.memory_space<hbm>>) target(%dma_start3A_195 : memref<128xf32, #tpu.memory_space<vmem>>) offsets(%dma_start3A_198 : memref<128xi32, #tpu.memory_space<vmem>>) semaphore(%arg7 : memref<!tpu.dma_semaphore, #tpu.memory_space<semaphore_mem>>)
    %dma_start3A_201 = arith.constant 11 : i32
    %dma_start3A_202 = arith.constant 26 : i32
    %dma_start3A_203 = arith.constant 0 : i32
    %dma_start3A_204 = tpu.memref_slice %arg6[%dma_start3A_202, %dma_start3A_203] : memref<32x128xf32, #tpu.memory_space<vmem>> -> memref<1x128xf32, #tpu.memory_space<vmem>>
    %dma_start3A_205 = tpu.memref_squeeze %dma_start3A_204 : memref<1x128xf32, #tpu.memory_space<vmem>> -> memref<128xf32, #tpu.memory_space<vmem>>
    %dma_start3A_206 = arith.constant 0 : i32
    %dma_start3A_207 = tpu.memref_slice %arg5[%dma_start3A_201, %dma_start3A_206] : memref<20x128xi32, #tpu.memory_space<vmem>> -> memref<1x128xi32, #tpu.memory_space<vmem>>
    %dma_start3A_208 = tpu.memref_squeeze %dma_start3A_207 : memref<1x128xi32, #tpu.memory_space<vmem>> -> memref<128xi32, #tpu.memory_space<vmem>>
    %dma_start3A_209 = arith.constant 0 : i32
    %dma_start3A_210 = tpu.memref_slice %arg3[%dma_start3A_209] : memref<1024000xf32, #tpu.memory_space<hbm>> -> memref<1024000xf32, #tpu.memory_space<hbm>>
    tpu.enqueue_indirect_dma source(%dma_start3A_210 : memref<1024000xf32, #tpu.memory_space<hbm>>) target(%dma_start3A_205 : memref<128xf32, #tpu.memory_space<vmem>>) offsets(%dma_start3A_208 : memref<128xi32, #tpu.memory_space<vmem>>) semaphore(%arg7 : memref<!tpu.dma_semaphore, #tpu.memory_space<semaphore_mem>>)
    %dma_wait3A_211 = arith.constant 12 : i32
    %dma_wait3A_212 = arith.constant 0 : i32
    %dma_wait3A_213 = tpu.memref_slice %arg5[%dma_wait3A_211, %dma_wait3A_212] : memref<20x128xi32, #tpu.memory_space<vmem>> -> memref<4x128xi32, #tpu.memory_space<vmem>>
    %dma_wait3A_214 = arith.constant 0 : i32
    %dma_wait3A_215 = tpu.memref_slice %arg2[%add3A_39, %dma_wait3A_214] : memref<640x128xi32, #tpu.memory_space<hbm>> -> memref<4x128xi32, #tpu.memory_space<hbm>>
    %dma_wait3A_216 = arith.constant 12 : i32
    %dma_wait3A_217 = arith.constant 0 : i32
    %dma_wait3A_218 = tpu.memref_slice %arg5[%dma_wait3A_216, %dma_wait3A_217] : memref<20x128xi32, #tpu.memory_space<vmem>> -> memref<4x128xi32, #tpu.memory_space<vmem>>
    %dma_wait3A_219 = arith.constant 0 : i32
    %dma_wait3A_220 = tpu.memref_slice %arg2[%add3A_39, %dma_wait3A_219] : memref<640x128xi32, #tpu.memory_space<hbm>> -> memref<4x128xi32, #tpu.memory_space<hbm>>
    tpu.wait_dma2 semaphore(%arg8 : memref<!tpu.dma_semaphore, #tpu.memory_space<semaphore_mem>>) src(%dma_wait3A_220 : memref<4x128xi32, #tpu.memory_space<hbm>>) dst(%dma_wait3A_218 : memref<4x128xi32, #tpu.memory_space<vmem>>)
    %dma_start3A_221 = arith.constant 12 : i32
    %dma_start3A_222 = arith.constant 3 : i32
    %dma_start3A_223 = arith.constant 0 : i32
    %dma_start3A_224 = tpu.memref_slice %arg6[%dma_start3A_222, %dma_start3A_223] : memref<32x128xf32, #tpu.memory_space<vmem>> -> memref<1x128xf32, #tpu.memory_space<vmem>>
    %dma_start3A_225 = tpu.memref_squeeze %dma_start3A_224 : memref<1x128xf32, #tpu.memory_space<vmem>> -> memref<128xf32, #tpu.memory_space<vmem>>
    %dma_start3A_226 = arith.constant 0 : i32
    %dma_start3A_227 = tpu.memref_slice %arg5[%dma_start3A_221, %dma_start3A_226] : memref<20x128xi32, #tpu.memory_space<vmem>> -> memref<1x128xi32, #tpu.memory_space<vmem>>
    %dma_start3A_228 = tpu.memref_squeeze %dma_start3A_227 : memref<1x128xi32, #tpu.memory_space<vmem>> -> memref<128xi32, #tpu.memory_space<vmem>>
    %dma_start3A_229 = arith.constant 0 : i32
    %dma_start3A_230 = tpu.memref_slice %arg3[%dma_start3A_229] : memref<1024000xf32, #tpu.memory_space<hbm>> -> memref<1024000xf32, #tpu.memory_space<hbm>>
    tpu.enqueue_indirect_dma source(%dma_start3A_230 : memref<1024000xf32, #tpu.memory_space<hbm>>) target(%dma_start3A_225 : memref<128xf32, #tpu.memory_space<vmem>>) offsets(%dma_start3A_228 : memref<128xi32, #tpu.memory_space<vmem>>) semaphore(%arg7 : memref<!tpu.dma_semaphore, #tpu.memory_space<semaphore_mem>>)
    %dma_start3A_231 = arith.constant 13 : i32
    %dma_start3A_232 = arith.constant 11 : i32
    %dma_start3A_233 = arith.constant 0 : i32
    %dma_start3A_234 = tpu.memref_slice %arg6[%dma_start3A_232, %dma_start3A_233] : memref<32x128xf32, #tpu.memory_space<vmem>> -> memref<1x128xf32, #tpu.memory_space<vmem>>
    %dma_start3A_235 = tpu.memref_squeeze %dma_start3A_234 : memref<1x128xf32, #tpu.memory_space<vmem>> -> memref<128xf32, #tpu.memory_space<vmem>>
    %dma_start3A_236 = arith.constant 0 : i32
    %dma_start3A_237 = tpu.memref_slice %arg5[%dma_start3A_231, %dma_start3A_236] : memref<20x128xi32, #tpu.memory_space<vmem>> -> memref<1x128xi32, #tpu.memory_space<vmem>>
    %dma_start3A_238 = tpu.memref_squeeze %dma_start3A_237 : memref<1x128xi32, #tpu.memory_space<vmem>> -> memref<128xi32, #tpu.memory_space<vmem>>
    %dma_start3A_239 = arith.constant 0 : i32
    %dma_start3A_240 = tpu.memref_slice %arg3[%dma_start3A_239] : memref<1024000xf32, #tpu.memory_space<hbm>> -> memref<1024000xf32, #tpu.memory_space<hbm>>
    tpu.enqueue_indirect_dma source(%dma_start3A_240 : memref<1024000xf32, #tpu.memory_space<hbm>>) target(%dma_start3A_235 : memref<128xf32, #tpu.memory_space<vmem>>) offsets(%dma_start3A_238 : memref<128xi32, #tpu.memory_space<vmem>>) semaphore(%arg7 : memref<!tpu.dma_semaphore, #tpu.memory_space<semaphore_mem>>)
    %dma_start3A_241 = arith.constant 14 : i32
    %dma_start3A_242 = arith.constant 19 : i32
    %dma_start3A_243 = arith.constant 0 : i32
    %dma_start3A_244 = tpu.memref_slice %arg6[%dma_start3A_242, %dma_start3A_243] : memref<32x128xf32, #tpu.memory_space<vmem>> -> memref<1x128xf32, #tpu.memory_space<vmem>>
    %dma_start3A_245 = tpu.memref_squeeze %dma_start3A_244 : memref<1x128xf32, #tpu.memory_space<vmem>> -> memref<128xf32, #tpu.memory_space<vmem>>
    %dma_start3A_246 = arith.constant 0 : i32
    %dma_start3A_247 = tpu.memref_slice %arg5[%dma_start3A_241, %dma_start3A_246] : memref<20x128xi32, #tpu.memory_space<vmem>> -> memref<1x128xi32, #tpu.memory_space<vmem>>
    %dma_start3A_248 = tpu.memref_squeeze %dma_start3A_247 : memref<1x128xi32, #tpu.memory_space<vmem>> -> memref<128xi32, #tpu.memory_space<vmem>>
    %dma_start3A_249 = arith.constant 0 : i32
    %dma_start3A_250 = tpu.memref_slice %arg3[%dma_start3A_249] : memref<1024000xf32, #tpu.memory_space<hbm>> -> memref<1024000xf32, #tpu.memory_space<hbm>>
    tpu.enqueue_indirect_dma source(%dma_start3A_250 : memref<1024000xf32, #tpu.memory_space<hbm>>) target(%dma_start3A_245 : memref<128xf32, #tpu.memory_space<vmem>>) offsets(%dma_start3A_248 : memref<128xi32, #tpu.memory_space<vmem>>) semaphore(%arg7 : memref<!tpu.dma_semaphore, #tpu.memory_space<semaphore_mem>>)
    %dma_start3A_251 = arith.constant 15 : i32
    %dma_start3A_252 = arith.constant 27 : i32
    %dma_start3A_253 = arith.constant 0 : i32
    %dma_start3A_254 = tpu.memref_slice %arg6[%dma_start3A_252, %dma_start3A_253] : memref<32x128xf32, #tpu.memory_space<vmem>> -> memref<1x128xf32, #tpu.memory_space<vmem>>
    %dma_start3A_255 = tpu.memref_squeeze %dma_start3A_254 : memref<1x128xf32, #tpu.memory_space<vmem>> -> memref<128xf32, #tpu.memory_space<vmem>>
    %dma_start3A_256 = arith.constant 0 : i32
    %dma_start3A_257 = tpu.memref_slice %arg5[%dma_start3A_251, %dma_start3A_256] : memref<20x128xi32, #tpu.memory_space<vmem>> -> memref<1x128xi32, #tpu.memory_space<vmem>>
    %dma_start3A_258 = tpu.memref_squeeze %dma_start3A_257 : memref<1x128xi32, #tpu.memory_space<vmem>> -> memref<128xi32, #tpu.memory_space<vmem>>
    %dma_start3A_259 = arith.constant 0 : i32
    %dma_start3A_260 = tpu.memref_slice %arg3[%dma_start3A_259] : memref<1024000xf32, #tpu.memory_space<hbm>> -> memref<1024000xf32, #tpu.memory_space<hbm>>
    tpu.enqueue_indirect_dma source(%dma_start3A_260 : memref<1024000xf32, #tpu.memory_space<hbm>>) target(%dma_start3A_255 : memref<128xf32, #tpu.memory_space<vmem>>) offsets(%dma_start3A_258 : memref<128xi32, #tpu.memory_space<vmem>>) semaphore(%arg7 : memref<!tpu.dma_semaphore, #tpu.memory_space<semaphore_mem>>)
    %dma_wait3A_261 = arith.constant 16 : i32
    %dma_wait3A_262 = arith.constant 0 : i32
    %dma_wait3A_263 = tpu.memref_slice %arg5[%dma_wait3A_261, %dma_wait3A_262] : memref<20x128xi32, #tpu.memory_space<vmem>> -> memref<4x128xi32, #tpu.memory_space<vmem>>
    %dma_wait3A_264 = arith.constant 0 : i32
    %dma_wait3A_265 = tpu.memref_slice %arg2[%add3A_51, %dma_wait3A_264] : memref<640x128xi32, #tpu.memory_space<hbm>> -> memref<4x128xi32, #tpu.memory_space<hbm>>
    %dma_wait3A_266 = arith.constant 16 : i32
    %dma_wait3A_267 = arith.constant 0 : i32
    %dma_wait3A_268 = tpu.memref_slice %arg5[%dma_wait3A_266, %dma_wait3A_267] : memref<20x128xi32, #tpu.memory_space<vmem>> -> memref<4x128xi32, #tpu.memory_space<vmem>>
    %dma_wait3A_269 = arith.constant 0 : i32
    %dma_wait3A_270 = tpu.memref_slice %arg2[%add3A_51, %dma_wait3A_269] : memref<640x128xi32, #tpu.memory_space<hbm>> -> memref<4x128xi32, #tpu.memory_space<hbm>>
    tpu.wait_dma2 semaphore(%arg8 : memref<!tpu.dma_semaphore, #tpu.memory_space<semaphore_mem>>) src(%dma_wait3A_270 : memref<4x128xi32, #tpu.memory_space<hbm>>) dst(%dma_wait3A_268 : memref<4x128xi32, #tpu.memory_space<vmem>>)
    %dma_start3A_271 = arith.constant 16 : i32
    %dma_start3A_272 = arith.constant 4 : i32
    %dma_start3A_273 = arith.constant 0 : i32
    %dma_start3A_274 = tpu.memref_slice %arg6[%dma_start3A_272, %dma_start3A_273] : memref<32x128xf32, #tpu.memory_space<vmem>> -> memref<1x128xf32, #tpu.memory_space<vmem>>
    %dma_start3A_275 = tpu.memref_squeeze %dma_start3A_274 : memref<1x128xf32, #tpu.memory_space<vmem>> -> memref<128xf32, #tpu.memory_space<vmem>>
    %dma_start3A_276 = arith.constant 0 : i32
    %dma_start3A_277 = tpu.memref_slice %arg5[%dma_start3A_271, %dma_start3A_276] : memref<20x128xi32, #tpu.memory_space<vmem>> -> memref<1x128xi32, #tpu.memory_space<vmem>>
    %dma_start3A_278 = tpu.memref_squeeze %dma_start3A_277 : memref<1x128xi32, #tpu.memory_space<vmem>> -> memref<128xi32, #tpu.memory_space<vmem>>
    %dma_start3A_279 = arith.constant 0 : i32
    %dma_start3A_280 = tpu.memref_slice %arg3[%dma_start3A_279] : memref<1024000xf32, #tpu.memory_space<hbm>> -> memref<1024000xf32, #tpu.memory_space<hbm>>
    tpu.enqueue_indirect_dma source(%dma_start3A_280 : memref<1024000xf32, #tpu.memory_space<hbm>>) target(%dma_start3A_275 : memref<128xf32, #tpu.memory_space<vmem>>) offsets(%dma_start3A_278 : memref<128xi32, #tpu.memory_space<vmem>>) semaphore(%arg7 : memref<!tpu.dma_semaphore, #tpu.memory_space<semaphore_mem>>)
    %dma_start3A_281 = arith.constant 17 : i32
    %dma_start3A_282 = arith.constant 12 : i32
    %dma_start3A_283 = arith.constant 0 : i32
    %dma_start3A_284 = tpu.memref_slice %arg6[%dma_start3A_282, %dma_start3A_283] : memref<32x128xf32, #tpu.memory_space<vmem>> -> memref<1x128xf32, #tpu.memory_space<vmem>>
    %dma_start3A_285 = tpu.memref_squeeze %dma_start3A_284 : memref<1x128xf32, #tpu.memory_space<vmem>> -> memref<128xf32, #tpu.memory_space<vmem>>
    %dma_start3A_286 = arith.constant 0 : i32
    %dma_start3A_287 = tpu.memref_slice %arg5[%dma_start3A_281, %dma_start3A_286] : memref<20x128xi32, #tpu.memory_space<vmem>> -> memref<1x128xi32, #tpu.memory_space<vmem>>
    %dma_start3A_288 = tpu.memref_squeeze %dma_start3A_287 : memref<1x128xi32, #tpu.memory_space<vmem>> -> memref<128xi32, #tpu.memory_space<vmem>>
    %dma_start3A_289 = arith.constant 0 : i32
    %dma_start3A_290 = tpu.memref_slice %arg3[%dma_start3A_289] : memref<1024000xf32, #tpu.memory_space<hbm>> -> memref<1024000xf32, #tpu.memory_space<hbm>>
    tpu.enqueue_indirect_dma source(%dma_start3A_290 : memref<1024000xf32, #tpu.memory_space<hbm>>) target(%dma_start3A_285 : memref<128xf32, #tpu.memory_space<vmem>>) offsets(%dma_start3A_288 : memref<128xi32, #tpu.memory_space<vmem>>) semaphore(%arg7 : memref<!tpu.dma_semaphore, #tpu.memory_space<semaphore_mem>>)
    %dma_start3A_291 = arith.constant 18 : i32
    %dma_start3A_292 = arith.constant 20 : i32
    %dma_start3A_293 = arith.constant 0 : i32
    %dma_start3A_294 = tpu.memref_slice %arg6[%dma_start3A_292, %dma_start3A_293] : memref<32x128xf32, #tpu.memory_space<vmem>> -> memref<1x128xf32, #tpu.memory_space<vmem>>
    %dma_start3A_295 = tpu.memref_squeeze %dma_start3A_294 : memref<1x128xf32, #tpu.memory_space<vmem>> -> memref<128xf32, #tpu.memory_space<vmem>>
    %dma_start3A_296 = arith.constant 0 : i32
    %dma_start3A_297 = tpu.memref_slice %arg5[%dma_start3A_291, %dma_start3A_296] : memref<20x128xi32, #tpu.memory_space<vmem>> -> memref<1x128xi32, #tpu.memory_space<vmem>>
    %dma_start3A_298 = tpu.memref_squeeze %dma_start3A_297 : memref<1x128xi32, #tpu.memory_space<vmem>> -> memref<128xi32, #tpu.memory_space<vmem>>
    %dma_start3A_299 = arith.constant 0 : i32
    %dma_start3A_300 = tpu.memref_slice %arg3[%dma_start3A_299] : memref<1024000xf32, #tpu.memory_space<hbm>> -> memref<1024000xf32, #tpu.memory_space<hbm>>
    tpu.enqueue_indirect_dma source(%dma_start3A_300 : memref<1024000xf32, #tpu.memory_space<hbm>>) target(%dma_start3A_295 : memref<128xf32, #tpu.memory_space<vmem>>) offsets(%dma_start3A_298 : memref<128xi32, #tpu.memory_space<vmem>>) semaphore(%arg7 : memref<!tpu.dma_semaphore, #tpu.memory_space<semaphore_mem>>)
    %dma_start3A_301 = arith.constant 19 : i32
    %dma_start3A_302 = arith.constant 28 : i32
    %dma_start3A_303 = arith.constant 0 : i32
    %dma_start3A_304 = tpu.memref_slice %arg6[%dma_start3A_302, %dma_start3A_303] : memref<32x128xf32, #tpu.memory_space<vmem>> -> memref<1x128xf32, #tpu.memory_space<vmem>>
    %dma_start3A_305 = tpu.memref_squeeze %dma_start3A_304 : memref<1x128xf32, #tpu.memory_space<vmem>> -> memref<128xf32, #tpu.memory_space<vmem>>
    %dma_start3A_306 = arith.constant 0 : i32
    %dma_start3A_307 = tpu.memref_slice %arg5[%dma_start3A_301, %dma_start3A_306] : memref<20x128xi32, #tpu.memory_space<vmem>> -> memref<1x128xi32, #tpu.memory_space<vmem>>
    %dma_start3A_308 = tpu.memref_squeeze %dma_start3A_307 : memref<1x128xi32, #tpu.memory_space<vmem>> -> memref<128xi32, #tpu.memory_space<vmem>>
    %dma_start3A_309 = arith.constant 0 : i32
    %dma_start3A_310 = tpu.memref_slice %arg3[%dma_start3A_309] : memref<1024000xf32, #tpu.memory_space<hbm>> -> memref<1024000xf32, #tpu.memory_space<hbm>>
    tpu.enqueue_indirect_dma source(%dma_start3A_310 : memref<1024000xf32, #tpu.memory_space<hbm>>) target(%dma_start3A_305 : memref<128xf32, #tpu.memory_space<vmem>>) offsets(%dma_start3A_308 : memref<128xi32, #tpu.memory_space<vmem>>) semaphore(%arg7 : memref<!tpu.dma_semaphore, #tpu.memory_space<semaphore_mem>>)
    %dma_wait3A_311 = arith.constant 0 : i32
    %dma_wait3A_312 = arith.constant 0 : i32
    %dma_wait3A_313 = arith.constant 0 : i32
    %dma_wait3A_314 = tpu.memref_slice %arg6[%dma_wait3A_312, %dma_wait3A_313] : memref<32x128xf32, #tpu.memory_space<vmem>> -> memref<1x128xf32, #tpu.memory_space<vmem>>
    %dma_wait3A_315 = tpu.memref_squeeze %dma_wait3A_314 : memref<1x128xf32, #tpu.memory_space<vmem>> -> memref<128xf32, #tpu.memory_space<vmem>>
    %dma_wait3A_316 = arith.constant 0 : i32
    %dma_wait3A_317 = tpu.memref_slice %arg5[%dma_wait3A_311, %dma_wait3A_316] : memref<20x128xi32, #tpu.memory_space<vmem>> -> memref<1x128xi32, #tpu.memory_space<vmem>>
    %dma_wait3A_318 = tpu.memref_squeeze %dma_wait3A_317 : memref<1x128xi32, #tpu.memory_space<vmem>> -> memref<128xi32, #tpu.memory_space<vmem>>
    %dma_wait3A_319 = arith.constant 0 : i32
    %dma_wait3A_320 = tpu.memref_slice %arg3[%dma_wait3A_319] : memref<1024000xf32, #tpu.memory_space<hbm>> -> memref<1024000xf32, #tpu.memory_space<hbm>>
    tpu.wait_indirect_dma semaphore(%arg7 : memref<!tpu.dma_semaphore, #tpu.memory_space<semaphore_mem>>) src(%dma_wait3A_320 : memref<1024000xf32, #tpu.memory_space<hbm>>) dst(%dma_wait3A_315 : memref<128xf32, #tpu.memory_space<vmem>>)
    %dma_wait3A_321 = arith.constant 1 : i32
    %dma_wait3A_322 = arith.constant 8 : i32
    %dma_wait3A_323 = arith.constant 0 : i32
    %dma_wait3A_324 = tpu.memref_slice %arg6[%dma_wait3A_322, %dma_wait3A_323] : memref<32x128xf32, #tpu.memory_space<vmem>> -> memref<1x128xf32, #tpu.memory_space<vmem>>
    %dma_wait3A_325 = tpu.memref_squeeze %dma_wait3A_324 : memref<1x128xf32, #tpu.memory_space<vmem>> -> memref<128xf32, #tpu.memory_space<vmem>>
    %dma_wait3A_326 = arith.constant 0 : i32
    %dma_wait3A_327 = tpu.memref_slice %arg5[%dma_wait3A_321, %dma_wait3A_326] : memref<20x128xi32, #tpu.memory_space<vmem>> -> memref<1x128xi32, #tpu.memory_space<vmem>>
    %dma_wait3A_328 = tpu.memref_squeeze %dma_wait3A_327 : memref<1x128xi32, #tpu.memory_space<vmem>> -> memref<128xi32, #tpu.memory_space<vmem>>
    %dma_wait3A_329 = arith.constant 0 : i32
    %dma_wait3A_330 = tpu.memref_slice %arg3[%dma_wait3A_329] : memref<1024000xf32, #tpu.memory_space<hbm>> -> memref<1024000xf32, #tpu.memory_space<hbm>>
    tpu.wait_indirect_dma semaphore(%arg7 : memref<!tpu.dma_semaphore, #tpu.memory_space<semaphore_mem>>) src(%dma_wait3A_330 : memref<1024000xf32, #tpu.memory_space<hbm>>) dst(%dma_wait3A_325 : memref<128xf32, #tpu.memory_space<vmem>>)
    %dma_wait3A_331 = arith.constant 2 : i32
    %dma_wait3A_332 = arith.constant 16 : i32
    %dma_wait3A_333 = arith.constant 0 : i32
    %dma_wait3A_334 = tpu.memref_slice %arg6[%dma_wait3A_332, %dma_wait3A_333] : memref<32x128xf32, #tpu.memory_space<vmem>> -> memref<1x128xf32, #tpu.memory_space<vmem>>
    %dma_wait3A_335 = tpu.memref_squeeze %dma_wait3A_334 : memref<1x128xf32, #tpu.memory_space<vmem>> -> memref<128xf32, #tpu.memory_space<vmem>>
    %dma_wait3A_336 = arith.constant 0 : i32
    %dma_wait3A_337 = tpu.memref_slice %arg5[%dma_wait3A_331, %dma_wait3A_336] : memref<20x128xi32, #tpu.memory_space<vmem>> -> memref<1x128xi32, #tpu.memory_space<vmem>>
    %dma_wait3A_338 = tpu.memref_squeeze %dma_wait3A_337 : memref<1x128xi32, #tpu.memory_space<vmem>> -> memref<128xi32, #tpu.memory_space<vmem>>
    %dma_wait3A_339 = arith.constant 0 : i32
    %dma_wait3A_340 = tpu.memref_slice %arg3[%dma_wait3A_339] : memref<1024000xf32, #tpu.memory_space<hbm>> -> memref<1024000xf32, #tpu.memory_space<hbm>>
    tpu.wait_indirect_dma semaphore(%arg7 : memref<!tpu.dma_semaphore, #tpu.memory_space<semaphore_mem>>) src(%dma_wait3A_340 : memref<1024000xf32, #tpu.memory_space<hbm>>) dst(%dma_wait3A_335 : memref<128xf32, #tpu.memory_space<vmem>>)
    %dma_wait3A_341 = arith.constant 3 : i32
    %dma_wait3A_342 = arith.constant 24 : i32
    %dma_wait3A_343 = arith.constant 0 : i32
    %dma_wait3A_344 = tpu.memref_slice %arg6[%dma_wait3A_342, %dma_wait3A_343] : memref<32x128xf32, #tpu.memory_space<vmem>> -> memref<1x128xf32, #tpu.memory_space<vmem>>
    %dma_wait3A_345 = tpu.memref_squeeze %dma_wait3A_344 : memref<1x128xf32, #tpu.memory_space<vmem>> -> memref<128xf32, #tpu.memory_space<vmem>>
    %dma_wait3A_346 = arith.constant 0 : i32
    %dma_wait3A_347 = tpu.memref_slice %arg5[%dma_wait3A_341, %dma_wait3A_346] : memref<20x128xi32, #tpu.memory_space<vmem>> -> memref<1x128xi32, #tpu.memory_space<vmem>>
    %dma_wait3A_348 = tpu.memref_squeeze %dma_wait3A_347 : memref<1x128xi32, #tpu.memory_space<vmem>> -> memref<128xi32, #tpu.memory_space<vmem>>
    %dma_wait3A_349 = arith.constant 0 : i32
    %dma_wait3A_350 = tpu.memref_slice %arg3[%dma_wait3A_349] : memref<1024000xf32, #tpu.memory_space<hbm>> -> memref<1024000xf32, #tpu.memory_space<hbm>>
    tpu.wait_indirect_dma semaphore(%arg7 : memref<!tpu.dma_semaphore, #tpu.memory_space<semaphore_mem>>) src(%dma_wait3A_350 : memref<1024000xf32, #tpu.memory_space<hbm>>) dst(%dma_wait3A_345 : memref<128xf32, #tpu.memory_space<vmem>>)
    %dma_wait3A_351 = arith.constant 4 : i32
    %dma_wait3A_352 = arith.constant 1 : i32
    %dma_wait3A_353 = arith.constant 0 : i32
    %dma_wait3A_354 = tpu.memref_slice %arg6[%dma_wait3A_352, %dma_wait3A_353] : memref<32x128xf32, #tpu.memory_space<vmem>> -> memref<1x128xf32, #tpu.memory_space<vmem>>
    %dma_wait3A_355 = tpu.memref_squeeze %dma_wait3A_354 : memref<1x128xf32, #tpu.memory_space<vmem>> -> memref<128xf32, #tpu.memory_space<vmem>>
    %dma_wait3A_356 = arith.constant 0 : i32
    %dma_wait3A_357 = tpu.memref_slice %arg5[%dma_wait3A_351, %dma_wait3A_356] : memref<20x128xi32, #tpu.memory_space<vmem>> -> memref<1x128xi32, #tpu.memory_space<vmem>>
    %dma_wait3A_358 = tpu.memref_squeeze %dma_wait3A_357 : memref<1x128xi32, #tpu.memory_space<vmem>> -> memref<128xi32, #tpu.memory_space<vmem>>
    %dma_wait3A_359 = arith.constant 0 : i32
    %dma_wait3A_360 = tpu.memref_slice %arg3[%dma_wait3A_359] : memref<1024000xf32, #tpu.memory_space<hbm>> -> memref<1024000xf32, #tpu.memory_space<hbm>>
    tpu.wait_indirect_dma semaphore(%arg7 : memref<!tpu.dma_semaphore, #tpu.memory_space<semaphore_mem>>) src(%dma_wait3A_360 : memref<1024000xf32, #tpu.memory_space<hbm>>) dst(%dma_wait3A_355 : memref<128xf32, #tpu.memory_space<vmem>>)
    %dma_wait3A_361 = arith.constant 5 : i32
    %dma_wait3A_362 = arith.constant 9 : i32
    %dma_wait3A_363 = arith.constant 0 : i32
    %dma_wait3A_364 = tpu.memref_slice %arg6[%dma_wait3A_362, %dma_wait3A_363] : memref<32x128xf32, #tpu.memory_space<vmem>> -> memref<1x128xf32, #tpu.memory_space<vmem>>
    %dma_wait3A_365 = tpu.memref_squeeze %dma_wait3A_364 : memref<1x128xf32, #tpu.memory_space<vmem>> -> memref<128xf32, #tpu.memory_space<vmem>>
    %dma_wait3A_366 = arith.constant 0 : i32
    %dma_wait3A_367 = tpu.memref_slice %arg5[%dma_wait3A_361, %dma_wait3A_366] : memref<20x128xi32, #tpu.memory_space<vmem>> -> memref<1x128xi32, #tpu.memory_space<vmem>>
    %dma_wait3A_368 = tpu.memref_squeeze %dma_wait3A_367 : memref<1x128xi32, #tpu.memory_space<vmem>> -> memref<128xi32, #tpu.memory_space<vmem>>
    %dma_wait3A_369 = arith.constant 0 : i32
    %dma_wait3A_370 = tpu.memref_slice %arg3[%dma_wait3A_369] : memref<1024000xf32, #tpu.memory_space<hbm>> -> memref<1024000xf32, #tpu.memory_space<hbm>>
    tpu.wait_indirect_dma semaphore(%arg7 : memref<!tpu.dma_semaphore, #tpu.memory_space<semaphore_mem>>) src(%dma_wait3A_370 : memref<1024000xf32, #tpu.memory_space<hbm>>) dst(%dma_wait3A_365 : memref<128xf32, #tpu.memory_space<vmem>>)
    %dma_wait3A_371 = arith.constant 6 : i32
    %dma_wait3A_372 = arith.constant 17 : i32
    %dma_wait3A_373 = arith.constant 0 : i32
    %dma_wait3A_374 = tpu.memref_slice %arg6[%dma_wait3A_372, %dma_wait3A_373] : memref<32x128xf32, #tpu.memory_space<vmem>> -> memref<1x128xf32, #tpu.memory_space<vmem>>
    %dma_wait3A_375 = tpu.memref_squeeze %dma_wait3A_374 : memref<1x128xf32, #tpu.memory_space<vmem>> -> memref<128xf32, #tpu.memory_space<vmem>>
    %dma_wait3A_376 = arith.constant 0 : i32
    %dma_wait3A_377 = tpu.memref_slice %arg5[%dma_wait3A_371, %dma_wait3A_376] : memref<20x128xi32, #tpu.memory_space<vmem>> -> memref<1x128xi32, #tpu.memory_space<vmem>>
    %dma_wait3A_378 = tpu.memref_squeeze %dma_wait3A_377 : memref<1x128xi32, #tpu.memory_space<vmem>> -> memref<128xi32, #tpu.memory_space<vmem>>
    %dma_wait3A_379 = arith.constant 0 : i32
    %dma_wait3A_380 = tpu.memref_slice %arg3[%dma_wait3A_379] : memref<1024000xf32, #tpu.memory_space<hbm>> -> memref<1024000xf32, #tpu.memory_space<hbm>>
    tpu.wait_indirect_dma semaphore(%arg7 : memref<!tpu.dma_semaphore, #tpu.memory_space<semaphore_mem>>) src(%dma_wait3A_380 : memref<1024000xf32, #tpu.memory_space<hbm>>) dst(%dma_wait3A_375 : memref<128xf32, #tpu.memory_space<vmem>>)
    %dma_wait3A_381 = arith.constant 7 : i32
    %dma_wait3A_382 = arith.constant 25 : i32
    %dma_wait3A_383 = arith.constant 0 : i32
    %dma_wait3A_384 = tpu.memref_slice %arg6[%dma_wait3A_382, %dma_wait3A_383] : memref<32x128xf32, #tpu.memory_space<vmem>> -> memref<1x128xf32, #tpu.memory_space<vmem>>
    %dma_wait3A_385 = tpu.memref_squeeze %dma_wait3A_384 : memref<1x128xf32, #tpu.memory_space<vmem>> -> memref<128xf32, #tpu.memory_space<vmem>>
    %dma_wait3A_386 = arith.constant 0 : i32
    %dma_wait3A_387 = tpu.memref_slice %arg5[%dma_wait3A_381, %dma_wait3A_386] : memref<20x128xi32, #tpu.memory_space<vmem>> -> memref<1x128xi32, #tpu.memory_space<vmem>>
    %dma_wait3A_388 = tpu.memref_squeeze %dma_wait3A_387 : memref<1x128xi32, #tpu.memory_space<vmem>> -> memref<128xi32, #tpu.memory_space<vmem>>
    %dma_wait3A_389 = arith.constant 0 : i32
    %dma_wait3A_390 = tpu.memref_slice %arg3[%dma_wait3A_389] : memref<1024000xf32, #tpu.memory_space<hbm>> -> memref<1024000xf32, #tpu.memory_space<hbm>>
    tpu.wait_indirect_dma semaphore(%arg7 : memref<!tpu.dma_semaphore, #tpu.memory_space<semaphore_mem>>) src(%dma_wait3A_390 : memref<1024000xf32, #tpu.memory_space<hbm>>) dst(%dma_wait3A_385 : memref<128xf32, #tpu.memory_space<vmem>>)
    %dma_wait3A_391 = arith.constant 8 : i32
    %dma_wait3A_392 = arith.constant 2 : i32
    %dma_wait3A_393 = arith.constant 0 : i32
    %dma_wait3A_394 = tpu.memref_slice %arg6[%dma_wait3A_392, %dma_wait3A_393] : memref<32x128xf32, #tpu.memory_space<vmem>> -> memref<1x128xf32, #tpu.memory_space<vmem>>
    %dma_wait3A_395 = tpu.memref_squeeze %dma_wait3A_394 : memref<1x128xf32, #tpu.memory_space<vmem>> -> memref<128xf32, #tpu.memory_space<vmem>>
    %dma_wait3A_396 = arith.constant 0 : i32
    %dma_wait3A_397 = tpu.memref_slice %arg5[%dma_wait3A_391, %dma_wait3A_396] : memref<20x128xi32, #tpu.memory_space<vmem>> -> memref<1x128xi32, #tpu.memory_space<vmem>>
    %dma_wait3A_398 = tpu.memref_squeeze %dma_wait3A_397 : memref<1x128xi32, #tpu.memory_space<vmem>> -> memref<128xi32, #tpu.memory_space<vmem>>
    %dma_wait3A_399 = arith.constant 0 : i32
    %dma_wait3A_400 = tpu.memref_slice %arg3[%dma_wait3A_399] : memref<1024000xf32, #tpu.memory_space<hbm>> -> memref<1024000xf32, #tpu.memory_space<hbm>>
    tpu.wait_indirect_dma semaphore(%arg7 : memref<!tpu.dma_semaphore, #tpu.memory_space<semaphore_mem>>) src(%dma_wait3A_400 : memref<1024000xf32, #tpu.memory_space<hbm>>) dst(%dma_wait3A_395 : memref<128xf32, #tpu.memory_space<vmem>>)
    %dma_wait3A_401 = arith.constant 9 : i32
    %dma_wait3A_402 = arith.constant 10 : i32
    %dma_wait3A_403 = arith.constant 0 : i32
    %dma_wait3A_404 = tpu.memref_slice %arg6[%dma_wait3A_402, %dma_wait3A_403] : memref<32x128xf32, #tpu.memory_space<vmem>> -> memref<1x128xf32, #tpu.memory_space<vmem>>
    %dma_wait3A_405 = tpu.memref_squeeze %dma_wait3A_404 : memref<1x128xf32, #tpu.memory_space<vmem>> -> memref<128xf32, #tpu.memory_space<vmem>>
    %dma_wait3A_406 = arith.constant 0 : i32
    %dma_wait3A_407 = tpu.memref_slice %arg5[%dma_wait3A_401, %dma_wait3A_406] : memref<20x128xi32, #tpu.memory_space<vmem>> -> memref<1x128xi32, #tpu.memory_space<vmem>>
    %dma_wait3A_408 = tpu.memref_squeeze %dma_wait3A_407 : memref<1x128xi32, #tpu.memory_space<vmem>> -> memref<128xi32, #tpu.memory_space<vmem>>
    %dma_wait3A_409 = arith.constant 0 : i32
    %dma_wait3A_410 = tpu.memref_slice %arg3[%dma_wait3A_409] : memref<1024000xf32, #tpu.memory_space<hbm>> -> memref<1024000xf32, #tpu.memory_space<hbm>>
    tpu.wait_indirect_dma semaphore(%arg7 : memref<!tpu.dma_semaphore, #tpu.memory_space<semaphore_mem>>) src(%dma_wait3A_410 : memref<1024000xf32, #tpu.memory_space<hbm>>) dst(%dma_wait3A_405 : memref<128xf32, #tpu.memory_space<vmem>>)
    %dma_wait3A_411 = arith.constant 10 : i32
    %dma_wait3A_412 = arith.constant 18 : i32
    %dma_wait3A_413 = arith.constant 0 : i32
    %dma_wait3A_414 = tpu.memref_slice %arg6[%dma_wait3A_412, %dma_wait3A_413] : memref<32x128xf32, #tpu.memory_space<vmem>> -> memref<1x128xf32, #tpu.memory_space<vmem>>
    %dma_wait3A_415 = tpu.memref_squeeze %dma_wait3A_414 : memref<1x128xf32, #tpu.memory_space<vmem>> -> memref<128xf32, #tpu.memory_space<vmem>>
    %dma_wait3A_416 = arith.constant 0 : i32
    %dma_wait3A_417 = tpu.memref_slice %arg5[%dma_wait3A_411, %dma_wait3A_416] : memref<20x128xi32, #tpu.memory_space<vmem>> -> memref<1x128xi32, #tpu.memory_space<vmem>>
    %dma_wait3A_418 = tpu.memref_squeeze %dma_wait3A_417 : memref<1x128xi32, #tpu.memory_space<vmem>> -> memref<128xi32, #tpu.memory_space<vmem>>
    %dma_wait3A_419 = arith.constant 0 : i32
    %dma_wait3A_420 = tpu.memref_slice %arg3[%dma_wait3A_419] : memref<1024000xf32, #tpu.memory_space<hbm>> -> memref<1024000xf32, #tpu.memory_space<hbm>>
    tpu.wait_indirect_dma semaphore(%arg7 : memref<!tpu.dma_semaphore, #tpu.memory_space<semaphore_mem>>) src(%dma_wait3A_420 : memref<1024000xf32, #tpu.memory_space<hbm>>) dst(%dma_wait3A_415 : memref<128xf32, #tpu.memory_space<vmem>>)
    %dma_wait3A_421 = arith.constant 11 : i32
    %dma_wait3A_422 = arith.constant 26 : i32
    %dma_wait3A_423 = arith.constant 0 : i32
    %dma_wait3A_424 = tpu.memref_slice %arg6[%dma_wait3A_422, %dma_wait3A_423] : memref<32x128xf32, #tpu.memory_space<vmem>> -> memref<1x128xf32, #tpu.memory_space<vmem>>
    %dma_wait3A_425 = tpu.memref_squeeze %dma_wait3A_424 : memref<1x128xf32, #tpu.memory_space<vmem>> -> memref<128xf32, #tpu.memory_space<vmem>>
    %dma_wait3A_426 = arith.constant 0 : i32
    %dma_wait3A_427 = tpu.memref_slice %arg5[%dma_wait3A_421, %dma_wait3A_426] : memref<20x128xi32, #tpu.memory_space<vmem>> -> memref<1x128xi32, #tpu.memory_space<vmem>>
    %dma_wait3A_428 = tpu.memref_squeeze %dma_wait3A_427 : memref<1x128xi32, #tpu.memory_space<vmem>> -> memref<128xi32, #tpu.memory_space<vmem>>
    %dma_wait3A_429 = arith.constant 0 : i32
    %dma_wait3A_430 = tpu.memref_slice %arg3[%dma_wait3A_429] : memref<1024000xf32, #tpu.memory_space<hbm>> -> memref<1024000xf32, #tpu.memory_space<hbm>>
    tpu.wait_indirect_dma semaphore(%arg7 : memref<!tpu.dma_semaphore, #tpu.memory_space<semaphore_mem>>) src(%dma_wait3A_430 : memref<1024000xf32, #tpu.memory_space<hbm>>) dst(%dma_wait3A_425 : memref<128xf32, #tpu.memory_space<vmem>>)
    %dma_wait3A_431 = arith.constant 12 : i32
    %dma_wait3A_432 = arith.constant 3 : i32
    %dma_wait3A_433 = arith.constant 0 : i32
    %dma_wait3A_434 = tpu.memref_slice %arg6[%dma_wait3A_432, %dma_wait3A_433] : memref<32x128xf32, #tpu.memory_space<vmem>> -> memref<1x128xf32, #tpu.memory_space<vmem>>
    %dma_wait3A_435 = tpu.memref_squeeze %dma_wait3A_434 : memref<1x128xf32, #tpu.memory_space<vmem>> -> memref<128xf32, #tpu.memory_space<vmem>>
    %dma_wait3A_436 = arith.constant 0 : i32
    %dma_wait3A_437 = tpu.memref_slice %arg5[%dma_wait3A_431, %dma_wait3A_436] : memref<20x128xi32, #tpu.memory_space<vmem>> -> memref<1x128xi32, #tpu.memory_space<vmem>>
    %dma_wait3A_438 = tpu.memref_squeeze %dma_wait3A_437 : memref<1x128xi32, #tpu.memory_space<vmem>> -> memref<128xi32, #tpu.memory_space<vmem>>
    %dma_wait3A_439 = arith.constant 0 : i32
    %dma_wait3A_440 = tpu.memref_slice %arg3[%dma_wait3A_439] : memref<1024000xf32, #tpu.memory_space<hbm>> -> memref<1024000xf32, #tpu.memory_space<hbm>>
    tpu.wait_indirect_dma semaphore(%arg7 : memref<!tpu.dma_semaphore, #tpu.memory_space<semaphore_mem>>) src(%dma_wait3A_440 : memref<1024000xf32, #tpu.memory_space<hbm>>) dst(%dma_wait3A_435 : memref<128xf32, #tpu.memory_space<vmem>>)
    %dma_wait3A_441 = arith.constant 13 : i32
    %dma_wait3A_442 = arith.constant 11 : i32
    %dma_wait3A_443 = arith.constant 0 : i32
    %dma_wait3A_444 = tpu.memref_slice %arg6[%dma_wait3A_442, %dma_wait3A_443] : memref<32x128xf32, #tpu.memory_space<vmem>> -> memref<1x128xf32, #tpu.memory_space<vmem>>
    %dma_wait3A_445 = tpu.memref_squeeze %dma_wait3A_444 : memref<1x128xf32, #tpu.memory_space<vmem>> -> memref<128xf32, #tpu.memory_space<vmem>>
    %dma_wait3A_446 = arith.constant 0 : i32
    %dma_wait3A_447 = tpu.memref_slice %arg5[%dma_wait3A_441, %dma_wait3A_446] : memref<20x128xi32, #tpu.memory_space<vmem>> -> memref<1x128xi32, #tpu.memory_space<vmem>>
    %dma_wait3A_448 = tpu.memref_squeeze %dma_wait3A_447 : memref<1x128xi32, #tpu.memory_space<vmem>> -> memref<128xi32, #tpu.memory_space<vmem>>
    %dma_wait3A_449 = arith.constant 0 : i32
    %dma_wait3A_450 = tpu.memref_slice %arg3[%dma_wait3A_449] : memref<1024000xf32, #tpu.memory_space<hbm>> -> memref<1024000xf32, #tpu.memory_space<hbm>>
    tpu.wait_indirect_dma semaphore(%arg7 : memref<!tpu.dma_semaphore, #tpu.memory_space<semaphore_mem>>) src(%dma_wait3A_450 : memref<1024000xf32, #tpu.memory_space<hbm>>) dst(%dma_wait3A_445 : memref<128xf32, #tpu.memory_space<vmem>>)
    %dma_wait3A_451 = arith.constant 14 : i32
    %dma_wait3A_452 = arith.constant 19 : i32
    %dma_wait3A_453 = arith.constant 0 : i32
    %dma_wait3A_454 = tpu.memref_slice %arg6[%dma_wait3A_452, %dma_wait3A_453] : memref<32x128xf32, #tpu.memory_space<vmem>> -> memref<1x128xf32, #tpu.memory_space<vmem>>
    %dma_wait3A_455 = tpu.memref_squeeze %dma_wait3A_454 : memref<1x128xf32, #tpu.memory_space<vmem>> -> memref<128xf32, #tpu.memory_space<vmem>>
    %dma_wait3A_456 = arith.constant 0 : i32
    %dma_wait3A_457 = tpu.memref_slice %arg5[%dma_wait3A_451, %dma_wait3A_456] : memref<20x128xi32, #tpu.memory_space<vmem>> -> memref<1x128xi32, #tpu.memory_space<vmem>>
    %dma_wait3A_458 = tpu.memref_squeeze %dma_wait3A_457 : memref<1x128xi32, #tpu.memory_space<vmem>> -> memref<128xi32, #tpu.memory_space<vmem>>
    %dma_wait3A_459 = arith.constant 0 : i32
    %dma_wait3A_460 = tpu.memref_slice %arg3[%dma_wait3A_459] : memref<1024000xf32, #tpu.memory_space<hbm>> -> memref<1024000xf32, #tpu.memory_space<hbm>>
    tpu.wait_indirect_dma semaphore(%arg7 : memref<!tpu.dma_semaphore, #tpu.memory_space<semaphore_mem>>) src(%dma_wait3A_460 : memref<1024000xf32, #tpu.memory_space<hbm>>) dst(%dma_wait3A_455 : memref<128xf32, #tpu.memory_space<vmem>>)
    %dma_wait3A_461 = arith.constant 15 : i32
    %dma_wait3A_462 = arith.constant 27 : i32
    %dma_wait3A_463 = arith.constant 0 : i32
    %dma_wait3A_464 = tpu.memref_slice %arg6[%dma_wait3A_462, %dma_wait3A_463] : memref<32x128xf32, #tpu.memory_space<vmem>> -> memref<1x128xf32, #tpu.memory_space<vmem>>
    %dma_wait3A_465 = tpu.memref_squeeze %dma_wait3A_464 : memref<1x128xf32, #tpu.memory_space<vmem>> -> memref<128xf32, #tpu.memory_space<vmem>>
    %dma_wait3A_466 = arith.constant 0 : i32
    %dma_wait3A_467 = tpu.memref_slice %arg5[%dma_wait3A_461, %dma_wait3A_466] : memref<20x128xi32, #tpu.memory_space<vmem>> -> memref<1x128xi32, #tpu.memory_space<vmem>>
    %dma_wait3A_468 = tpu.memref_squeeze %dma_wait3A_467 : memref<1x128xi32, #tpu.memory_space<vmem>> -> memref<128xi32, #tpu.memory_space<vmem>>
    %dma_wait3A_469 = arith.constant 0 : i32
    %dma_wait3A_470 = tpu.memref_slice %arg3[%dma_wait3A_469] : memref<1024000xf32, #tpu.memory_space<hbm>> -> memref<1024000xf32, #tpu.memory_space<hbm>>
    tpu.wait_indirect_dma semaphore(%arg7 : memref<!tpu.dma_semaphore, #tpu.memory_space<semaphore_mem>>) src(%dma_wait3A_470 : memref<1024000xf32, #tpu.memory_space<hbm>>) dst(%dma_wait3A_465 : memref<128xf32, #tpu.memory_space<vmem>>)
    %dma_wait3A_471 = arith.constant 16 : i32
    %dma_wait3A_472 = arith.constant 4 : i32
    %dma_wait3A_473 = arith.constant 0 : i32
    %dma_wait3A_474 = tpu.memref_slice %arg6[%dma_wait3A_472, %dma_wait3A_473] : memref<32x128xf32, #tpu.memory_space<vmem>> -> memref<1x128xf32, #tpu.memory_space<vmem>>
    %dma_wait3A_475 = tpu.memref_squeeze %dma_wait3A_474 : memref<1x128xf32, #tpu.memory_space<vmem>> -> memref<128xf32, #tpu.memory_space<vmem>>
    %dma_wait3A_476 = arith.constant 0 : i32
    %dma_wait3A_477 = tpu.memref_slice %arg5[%dma_wait3A_471, %dma_wait3A_476] : memref<20x128xi32, #tpu.memory_space<vmem>> -> memref<1x128xi32, #tpu.memory_space<vmem>>
    %dma_wait3A_478 = tpu.memref_squeeze %dma_wait3A_477 : memref<1x128xi32, #tpu.memory_space<vmem>> -> memref<128xi32, #tpu.memory_space<vmem>>
    %dma_wait3A_479 = arith.constant 0 : i32
    %dma_wait3A_480 = tpu.memref_slice %arg3[%dma_wait3A_479] : memref<1024000xf32, #tpu.memory_space<hbm>> -> memref<1024000xf32, #tpu.memory_space<hbm>>
    tpu.wait_indirect_dma semaphore(%arg7 : memref<!tpu.dma_semaphore, #tpu.memory_space<semaphore_mem>>) src(%dma_wait3A_480 : memref<1024000xf32, #tpu.memory_space<hbm>>) dst(%dma_wait3A_475 : memref<128xf32, #tpu.memory_space<vmem>>)
    %dma_wait3A_481 = arith.constant 17 : i32
    %dma_wait3A_482 = arith.constant 12 : i32
    %dma_wait3A_483 = arith.constant 0 : i32
    %dma_wait3A_484 = tpu.memref_slice %arg6[%dma_wait3A_482, %dma_wait3A_483] : memref<32x128xf32, #tpu.memory_space<vmem>> -> memref<1x128xf32, #tpu.memory_space<vmem>>
    %dma_wait3A_485 = tpu.memref_squeeze %dma_wait3A_484 : memref<1x128xf32, #tpu.memory_space<vmem>> -> memref<128xf32, #tpu.memory_space<vmem>>
    %dma_wait3A_486 = arith.constant 0 : i32
    %dma_wait3A_487 = tpu.memref_slice %arg5[%dma_wait3A_481, %dma_wait3A_486] : memref<20x128xi32, #tpu.memory_space<vmem>> -> memref<1x128xi32, #tpu.memory_space<vmem>>
    %dma_wait3A_488 = tpu.memref_squeeze %dma_wait3A_487 : memref<1x128xi32, #tpu.memory_space<vmem>> -> memref<128xi32, #tpu.memory_space<vmem>>
    %dma_wait3A_489 = arith.constant 0 : i32
    %dma_wait3A_490 = tpu.memref_slice %arg3[%dma_wait3A_489] : memref<1024000xf32, #tpu.memory_space<hbm>> -> memref<1024000xf32, #tpu.memory_space<hbm>>
    tpu.wait_indirect_dma semaphore(%arg7 : memref<!tpu.dma_semaphore, #tpu.memory_space<semaphore_mem>>) src(%dma_wait3A_490 : memref<1024000xf32, #tpu.memory_space<hbm>>) dst(%dma_wait3A_485 : memref<128xf32, #tpu.memory_space<vmem>>)
    %dma_wait3A_491 = arith.constant 18 : i32
    %dma_wait3A_492 = arith.constant 20 : i32
    %dma_wait3A_493 = arith.constant 0 : i32
    %dma_wait3A_494 = tpu.memref_slice %arg6[%dma_wait3A_492, %dma_wait3A_493] : memref<32x128xf32, #tpu.memory_space<vmem>> -> memref<1x128xf32, #tpu.memory_space<vmem>>
    %dma_wait3A_495 = tpu.memref_squeeze %dma_wait3A_494 : memref<1x128xf32, #tpu.memory_space<vmem>> -> memref<128xf32, #tpu.memory_space<vmem>>
    %dma_wait3A_496 = arith.constant 0 : i32
    %dma_wait3A_497 = tpu.memref_slice %arg5[%dma_wait3A_491, %dma_wait3A_496] : memref<20x128xi32, #tpu.memory_space<vmem>> -> memref<1x128xi32, #tpu.memory_space<vmem>>
    %dma_wait3A_498 = tpu.memref_squeeze %dma_wait3A_497 : memref<1x128xi32, #tpu.memory_space<vmem>> -> memref<128xi32, #tpu.memory_space<vmem>>
    %dma_wait3A_499 = arith.constant 0 : i32
    %dma_wait3A_500 = tpu.memref_slice %arg3[%dma_wait3A_499] : memref<1024000xf32, #tpu.memory_space<hbm>> -> memref<1024000xf32, #tpu.memory_space<hbm>>
    tpu.wait_indirect_dma semaphore(%arg7 : memref<!tpu.dma_semaphore, #tpu.memory_space<semaphore_mem>>) src(%dma_wait3A_500 : memref<1024000xf32, #tpu.memory_space<hbm>>) dst(%dma_wait3A_495 : memref<128xf32, #tpu.memory_space<vmem>>)
    %dma_wait3A_501 = arith.constant 19 : i32
    %dma_wait3A_502 = arith.constant 28 : i32
    %dma_wait3A_503 = arith.constant 0 : i32
    %dma_wait3A_504 = tpu.memref_slice %arg6[%dma_wait3A_502, %dma_wait3A_503] : memref<32x128xf32, #tpu.memory_space<vmem>> -> memref<1x128xf32, #tpu.memory_space<vmem>>
    %dma_wait3A_505 = tpu.memref_squeeze %dma_wait3A_504 : memref<1x128xf32, #tpu.memory_space<vmem>> -> memref<128xf32, #tpu.memory_space<vmem>>
    %dma_wait3A_506 = arith.constant 0 : i32
    %dma_wait3A_507 = tpu.memref_slice %arg5[%dma_wait3A_501, %dma_wait3A_506] : memref<20x128xi32, #tpu.memory_space<vmem>> -> memref<1x128xi32, #tpu.memory_space<vmem>>
    %dma_wait3A_508 = tpu.memref_squeeze %dma_wait3A_507 : memref<1x128xi32, #tpu.memory_space<vmem>> -> memref<128xi32, #tpu.memory_space<vmem>>
    %dma_wait3A_509 = arith.constant 0 : i32
    %dma_wait3A_510 = tpu.memref_slice %arg3[%dma_wait3A_509] : memref<1024000xf32, #tpu.memory_space<hbm>> -> memref<1024000xf32, #tpu.memory_space<hbm>>
    tpu.wait_indirect_dma semaphore(%arg7 : memref<!tpu.dma_semaphore, #tpu.memory_space<semaphore_mem>>) src(%dma_wait3A_510 : memref<1024000xf32, #tpu.memory_space<hbm>>) dst(%dma_wait3A_505 : memref<128xf32, #tpu.memory_space<vmem>>)
    %add3A_511 = arith.constant 0 : i32
    %add3A_512 = arith.addi %mul3A_2, %add3A_511 : i32
    %mul3A_513 = arith.constant 8 : i32
    %mul3A_514 = arith.muli %add3A_512, %mul3A_513 : i32
    %dma_start3A_515 = arith.constant 0 : i32
    %dma_start3A_516 = arith.constant 0 : i32
    %dma_start3A_517 = tpu.memref_slice %arg6[%dma_start3A_515, %dma_start3A_516] : memref<32x128xf32, #tpu.memory_space<vmem>> -> memref<8x128xf32, #tpu.memory_space<vmem>>
    %dma_start3A_518 = arith.constant 0 : i32
    %dma_start3A_519 = tpu.memref_slice %arg4[%mul3A_514, %dma_start3A_518] : memref<1024x128xf32, #tpu.memory_space<hbm>> -> memref<8x128xf32, #tpu.memory_space<hbm>>
    %dma_start3A_520 = arith.constant 0 : i32
    %dma_start3A_521 = tpu.memref_slice %arg4[%mul3A_514, %dma_start3A_520] : memref<1024x128xf32, #tpu.memory_space<hbm>> -> memref<8x128xf32, #tpu.memory_space<hbm>>
    %dma_start3A_522 = arith.constant 0 : i32
    %dma_start3A_523 = arith.constant 0 : i32
    %dma_start3A_524 = tpu.memref_slice %arg6[%dma_start3A_522, %dma_start3A_523] : memref<32x128xf32, #tpu.memory_space<vmem>> -> memref<8x128xf32, #tpu.memory_space<vmem>>
    tpu.enqueue_dma source(%dma_start3A_524 : memref<8x128xf32, #tpu.memory_space<vmem>>) target(%dma_start3A_521 : memref<8x128xf32, #tpu.memory_space<hbm>>) target_semaphore(%arg9 : memref<!tpu.dma_semaphore, #tpu.memory_space<semaphore_mem>>)
    %add3A_525 = arith.constant 1 : i32
    %add3A_526 = arith.addi %mul3A_2, %add3A_525 : i32
    %mul3A_527 = arith.constant 8 : i32
    %mul3A_528 = arith.muli %add3A_526, %mul3A_527 : i32
    %dma_start3A_529 = arith.constant 8 : i32
    %dma_start3A_530 = arith.constant 0 : i32
    %dma_start3A_531 = tpu.memref_slice %arg6[%dma_start3A_529, %dma_start3A_530] : memref<32x128xf32, #tpu.memory_space<vmem>> -> memref<8x128xf32, #tpu.memory_space<vmem>>
    %dma_start3A_532 = arith.constant 0 : i32
    %dma_start3A_533 = tpu.memref_slice %arg4[%mul3A_528, %dma_start3A_532] : memref<1024x128xf32, #tpu.memory_space<hbm>> -> memref<8x128xf32, #tpu.memory_space<hbm>>
    %dma_start3A_534 = arith.constant 0 : i32
    %dma_start3A_535 = tpu.memref_slice %arg4[%mul3A_528, %dma_start3A_534] : memref<1024x128xf32, #tpu.memory_space<hbm>> -> memref<8x128xf32, #tpu.memory_space<hbm>>
    %dma_start3A_536 = arith.constant 8 : i32
    %dma_start3A_537 = arith.constant 0 : i32
    %dma_start3A_538 = tpu.memref_slice %arg6[%dma_start3A_536, %dma_start3A_537] : memref<32x128xf32, #tpu.memory_space<vmem>> -> memref<8x128xf32, #tpu.memory_space<vmem>>
    tpu.enqueue_dma source(%dma_start3A_538 : memref<8x128xf32, #tpu.memory_space<vmem>>) target(%dma_start3A_535 : memref<8x128xf32, #tpu.memory_space<hbm>>) target_semaphore(%arg9 : memref<!tpu.dma_semaphore, #tpu.memory_space<semaphore_mem>>)
    %add3A_539 = arith.constant 2 : i32
    %add3A_540 = arith.addi %mul3A_2, %add3A_539 : i32
    %mul3A_541 = arith.constant 8 : i32
    %mul3A_542 = arith.muli %add3A_540, %mul3A_541 : i32
    %dma_start3A_543 = arith.constant 16 : i32
    %dma_start3A_544 = arith.constant 0 : i32
    %dma_start3A_545 = tpu.memref_slice %arg6[%dma_start3A_543, %dma_start3A_544] : memref<32x128xf32, #tpu.memory_space<vmem>> -> memref<8x128xf32, #tpu.memory_space<vmem>>
    %dma_start3A_546 = arith.constant 0 : i32
    %dma_start3A_547 = tpu.memref_slice %arg4[%mul3A_542, %dma_start3A_546] : memref<1024x128xf32, #tpu.memory_space<hbm>> -> memref<8x128xf32, #tpu.memory_space<hbm>>
    %dma_start3A_548 = arith.constant 0 : i32
    %dma_start3A_549 = tpu.memref_slice %arg4[%mul3A_542, %dma_start3A_548] : memref<1024x128xf32, #tpu.memory_space<hbm>> -> memref<8x128xf32, #tpu.memory_space<hbm>>
    %dma_start3A_550 = arith.constant 16 : i32
    %dma_start3A_551 = arith.constant 0 : i32
    %dma_start3A_552 = tpu.memref_slice %arg6[%dma_start3A_550, %dma_start3A_551] : memref<32x128xf32, #tpu.memory_space<vmem>> -> memref<8x128xf32, #tpu.memory_space<vmem>>
    tpu.enqueue_dma source(%dma_start3A_552 : memref<8x128xf32, #tpu.memory_space<vmem>>) target(%dma_start3A_549 : memref<8x128xf32, #tpu.memory_space<hbm>>) target_semaphore(%arg9 : memref<!tpu.dma_semaphore, #tpu.memory_space<semaphore_mem>>)
    %add3A_553 = arith.constant 3 : i32
    %add3A_554 = arith.addi %mul3A_2, %add3A_553 : i32
    %mul3A_555 = arith.constant 8 : i32
    %mul3A_556 = arith.muli %add3A_554, %mul3A_555 : i32
    %dma_start3A_557 = arith.constant 24 : i32
    %dma_start3A_558 = arith.constant 0 : i32
    %dma_start3A_559 = tpu.memref_slice %arg6[%dma_start3A_557, %dma_start3A_558] : memref<32x128xf32, #tpu.memory_space<vmem>> -> memref<8x128xf32, #tpu.memory_space<vmem>>
    %dma_start3A_560 = arith.constant 0 : i32
    %dma_start3A_561 = tpu.memref_slice %arg4[%mul3A_556, %dma_start3A_560] : memref<1024x128xf32, #tpu.memory_space<hbm>> -> memref<8x128xf32, #tpu.memory_space<hbm>>
    %dma_start3A_562 = arith.constant 0 : i32
    %dma_start3A_563 = tpu.memref_slice %arg4[%mul3A_556, %dma_start3A_562] : memref<1024x128xf32, #tpu.memory_space<hbm>> -> memref<8x128xf32, #tpu.memory_space<hbm>>
    %dma_start3A_564 = arith.constant 24 : i32
    %dma_start3A_565 = arith.constant 0 : i32
    %dma_start3A_566 = tpu.memref_slice %arg6[%dma_start3A_564, %dma_start3A_565] : memref<32x128xf32, #tpu.memory_space<vmem>> -> memref<8x128xf32, #tpu.memory_space<vmem>>
    tpu.enqueue_dma source(%dma_start3A_566 : memref<8x128xf32, #tpu.memory_space<vmem>>) target(%dma_start3A_563 : memref<8x128xf32, #tpu.memory_space<hbm>>) target_semaphore(%arg9 : memref<!tpu.dma_semaphore, #tpu.memory_space<semaphore_mem>>)
    %dma_wait3A_567 = arith.constant 0 : i32
    %dma_wait3A_568 = arith.constant 0 : i32
    %dma_wait3A_569 = tpu.memref_slice %arg6[%dma_wait3A_567, %dma_wait3A_568] : memref<32x128xf32, #tpu.memory_space<vmem>> -> memref<8x128xf32, #tpu.memory_space<vmem>>
    %dma_wait3A_570 = arith.constant 0 : i32
    %dma_wait3A_571 = tpu.memref_slice %arg4[%mul3A_514, %dma_wait3A_570] : memref<1024x128xf32, #tpu.memory_space<hbm>> -> memref<8x128xf32, #tpu.memory_space<hbm>>
    %dma_wait3A_572 = arith.constant 0 : i32
    %dma_wait3A_573 = tpu.memref_slice %arg4[%mul3A_514, %dma_wait3A_572] : memref<1024x128xf32, #tpu.memory_space<hbm>> -> memref<8x128xf32, #tpu.memory_space<hbm>>
    %dma_wait3A_574 = arith.constant 0 : i32
    %dma_wait3A_575 = arith.constant 0 : i32
    %dma_wait3A_576 = tpu.memref_slice %arg6[%dma_wait3A_574, %dma_wait3A_575] : memref<32x128xf32, #tpu.memory_space<vmem>> -> memref<8x128xf32, #tpu.memory_space<vmem>>
    tpu.wait_dma2 semaphore(%arg9 : memref<!tpu.dma_semaphore, #tpu.memory_space<semaphore_mem>>) src(%dma_wait3A_576 : memref<8x128xf32, #tpu.memory_space<vmem>>) dst(%dma_wait3A_573 : memref<8x128xf32, #tpu.memory_space<hbm>>)
    %dma_wait3A_577 = arith.constant 8 : i32
    %dma_wait3A_578 = arith.constant 0 : i32
    %dma_wait3A_579 = tpu.memref_slice %arg6[%dma_wait3A_577, %dma_wait3A_578] : memref<32x128xf32, #tpu.memory_space<vmem>> -> memref<8x128xf32, #tpu.memory_space<vmem>>
    %dma_wait3A_580 = arith.constant 0 : i32
    %dma_wait3A_581 = tpu.memref_slice %arg4[%mul3A_528, %dma_wait3A_580] : memref<1024x128xf32, #tpu.memory_space<hbm>> -> memref<8x128xf32, #tpu.memory_space<hbm>>
    %dma_wait3A_582 = arith.constant 0 : i32
    %dma_wait3A_583 = tpu.memref_slice %arg4[%mul3A_528, %dma_wait3A_582] : memref<1024x128xf32, #tpu.memory_space<hbm>> -> memref<8x128xf32, #tpu.memory_space<hbm>>
    %dma_wait3A_584 = arith.constant 8 : i32
    %dma_wait3A_585 = arith.constant 0 : i32
    %dma_wait3A_586 = tpu.memref_slice %arg6[%dma_wait3A_584, %dma_wait3A_585] : memref<32x128xf32, #tpu.memory_space<vmem>> -> memref<8x128xf32, #tpu.memory_space<vmem>>
    tpu.wait_dma2 semaphore(%arg9 : memref<!tpu.dma_semaphore, #tpu.memory_space<semaphore_mem>>) src(%dma_wait3A_586 : memref<8x128xf32, #tpu.memory_space<vmem>>) dst(%dma_wait3A_583 : memref<8x128xf32, #tpu.memory_space<hbm>>)
    %dma_wait3A_587 = arith.constant 16 : i32
    %dma_wait3A_588 = arith.constant 0 : i32
    %dma_wait3A_589 = tpu.memref_slice %arg6[%dma_wait3A_587, %dma_wait3A_588] : memref<32x128xf32, #tpu.memory_space<vmem>> -> memref<8x128xf32, #tpu.memory_space<vmem>>
    %dma_wait3A_590 = arith.constant 0 : i32
    %dma_wait3A_591 = tpu.memref_slice %arg4[%mul3A_542, %dma_wait3A_590] : memref<1024x128xf32, #tpu.memory_space<hbm>> -> memref<8x128xf32, #tpu.memory_space<hbm>>
    %dma_wait3A_592 = arith.constant 0 : i32
    %dma_wait3A_593 = tpu.memref_slice %arg4[%mul3A_542, %dma_wait3A_592] : memref<1024x128xf32, #tpu.memory_space<hbm>> -> memref<8x128xf32, #tpu.memory_space<hbm>>
    %dma_wait3A_594 = arith.constant 16 : i32
    %dma_wait3A_595 = arith.constant 0 : i32
    %dma_wait3A_596 = tpu.memref_slice %arg6[%dma_wait3A_594, %dma_wait3A_595] : memref<32x128xf32, #tpu.memory_space<vmem>> -> memref<8x128xf32, #tpu.memory_space<vmem>>
    tpu.wait_dma2 semaphore(%arg9 : memref<!tpu.dma_semaphore, #tpu.memory_space<semaphore_mem>>) src(%dma_wait3A_596 : memref<8x128xf32, #tpu.memory_space<vmem>>) dst(%dma_wait3A_593 : memref<8x128xf32, #tpu.memory_space<hbm>>)
    %dma_wait3A_597 = arith.constant 24 : i32
    %dma_wait3A_598 = arith.constant 0 : i32
    %dma_wait3A_599 = tpu.memref_slice %arg6[%dma_wait3A_597, %dma_wait3A_598] : memref<32x128xf32, #tpu.memory_space<vmem>> -> memref<8x128xf32, #tpu.memory_space<vmem>>
    %dma_wait3A_600 = arith.constant 0 : i32
    %dma_wait3A_601 = tpu.memref_slice %arg4[%mul3A_556, %dma_wait3A_600] : memref<1024x128xf32, #tpu.memory_space<hbm>> -> memref<8x128xf32, #tpu.memory_space<hbm>>
    %dma_wait3A_602 = arith.constant 0 : i32
    %dma_wait3A_603 = tpu.memref_slice %arg4[%mul3A_556, %dma_wait3A_602] : memref<1024x128xf32, #tpu.memory_space<hbm>> -> memref<8x128xf32, #tpu.memory_space<hbm>>
    %dma_wait3A_604 = arith.constant 24 : i32
    %dma_wait3A_605 = arith.constant 0 : i32
    %dma_wait3A_606 = tpu.memref_slice %arg6[%dma_wait3A_604, %dma_wait3A_605] : memref<32x128xf32, #tpu.memory_space<vmem>> -> memref<8x128xf32, #tpu.memory_space<vmem>>
    tpu.wait_dma2 semaphore(%arg9 : memref<!tpu.dma_semaphore, #tpu.memory_space<semaphore_mem>>) src(%dma_wait3A_606 : memref<8x128xf32, #tpu.memory_space<vmem>>) dst(%dma_wait3A_603 : memref<8x128xf32, #tpu.memory_space<hbm>>)
    return
  }
}

module attributes {stable_mosaic.version = 14 : i64} {
  func.func @_tc_body(%arg0: memref<64x1000xf32, #tpu.memory_space<vmem>>, %arg1: memref<64x1000xf32, #tpu.memory_space<vmem>>, %arg2: memref<128x128xi32, #tpu.memory_space<vmem>>, %arg3: memref<640x128xi32, #tpu.memory_space<vmem>>, %arg4: memref<8000x128xf32, #tpu.memory_space<vmem>>, %arg5: memref<640x128xi32, #tpu.memory_space<vmem>>) attributes {dimension_semantics = [], scalar_prefetch = 0 : i64, scratch_operands = 0 : i64, tpu.core_type = #tpu.core_type<tc>} {
    %get3A = arith.constant 0 : index
    %get3A_0 = arith.constant 0 : index
    %get3A_1 = vector.load %arg0[%get3A, %get3A_0] : memref<64x1000xf32, #tpu.memory_space<vmem>>, vector<64x1000xf32>
    %convert_element_type3A = arith.truncf %get3A_1 : vector<64x1000xf32> to vector<64x1000xbf16>
    %get3A_2 = arith.constant 0 : index
    %get3A_3 = arith.constant 0 : index
    %get3A_4 = vector.load %arg1[%get3A_2, %get3A_3] : memref<64x1000xf32, #tpu.memory_space<vmem>>, vector<64x1000xf32>
    %convert_element_type3A_5 = arith.truncf %get3A_4 : vector<64x1000xf32> to vector<64x1000xbf16>
    %slice3A = vector.extract_strided_slice %convert_element_type3A_5 {offsets = [0, 0], sizes = [64, 128], strides = [1, 1]} : vector<64x1000xbf16> to vector<64x128xbf16>
    %dot_general3A = arith.constant dense<0.000000e+00> : vector<1000x128xf32>
    %dot_general3A_6 = tpu.matmul %convert_element_type3A, %slice3A, %dot_general3A {dimension_numbers = #tpu.dot_dimension_numbers<[0], [0], [1], [1], [0, 1, 1, 1], [], []>, transpose_lhs_hint = false} : vector<64x1000xbf16>, vector<64x128xbf16>, vector<1000x128xf32> -> vector<1000x128xf32>
    %swap3A = arith.constant 0 : index
    %swap3A_7 = arith.constant 0 : index
    %swap3A_8 = vector.load %arg4[%swap3A, %swap3A_7] : memref<8000x128xf32, #tpu.memory_space<vmem>>, vector<1000x128xf32>
    tpu.vector_store %arg4[%swap3A, %swap3A_7], %dot_general3A_6 {strides = array<i32>} : memref<8000x128xf32, #tpu.memory_space<vmem>>, vector<1000x128xf32>,
    %slice3A_9 = vector.extract_strided_slice %convert_element_type3A_5 {offsets = [0, 128], sizes = [64, 128], strides = [1, 1]} : vector<64x1000xbf16> to vector<64x128xbf16>
    %dot_general3A_10 = arith.constant dense<0.000000e+00> : vector<1000x128xf32>
    %dot_general3A_11 = tpu.matmul %convert_element_type3A, %slice3A_9, %dot_general3A_10 {dimension_numbers = #tpu.dot_dimension_numbers<[0], [0], [1], [1], [0, 1, 1, 1], [], []>, transpose_lhs_hint = false} : vector<64x1000xbf16>, vector<64x128xbf16>, vector<1000x128xf32> -> vector<1000x128xf32>
    %swap3A_12 = arith.constant 1000 : index
    %swap3A_13 = arith.constant 0 : index
    %swap3A_14 = vector.load %arg4[%swap3A_12, %swap3A_13] : memref<8000x128xf32, #tpu.memory_space<vmem>>, vector<1000x128xf32>
    tpu.vector_store %arg4[%swap3A_12, %swap3A_13], %dot_general3A_11 {strides = array<i32>} : memref<8000x128xf32, #tpu.memory_space<vmem>>, vector<1000x128xf32>,
    %slice3A_15 = vector.extract_strided_slice %convert_element_type3A_5 {offsets = [0, 256], sizes = [64, 128], strides = [1, 1]} : vector<64x1000xbf16> to vector<64x128xbf16>
    %dot_general3A_16 = arith.constant dense<0.000000e+00> : vector<1000x128xf32>
    %dot_general3A_17 = tpu.matmul %convert_element_type3A, %slice3A_15, %dot_general3A_16 {dimension_numbers = #tpu.dot_dimension_numbers<[0], [0], [1], [1], [0, 1, 1, 1], [], []>, transpose_lhs_hint = false} : vector<64x1000xbf16>, vector<64x128xbf16>, vector<1000x128xf32> -> vector<1000x128xf32>
    %swap3A_18 = arith.constant 2000 : index
    %swap3A_19 = arith.constant 0 : index
    %swap3A_20 = vector.load %arg4[%swap3A_18, %swap3A_19] : memref<8000x128xf32, #tpu.memory_space<vmem>>, vector<1000x128xf32>
    tpu.vector_store %arg4[%swap3A_18, %swap3A_19], %dot_general3A_17 {strides = array<i32>} : memref<8000x128xf32, #tpu.memory_space<vmem>>, vector<1000x128xf32>,
    %slice3A_21 = vector.extract_strided_slice %convert_element_type3A_5 {offsets = [0, 384], sizes = [64, 128], strides = [1, 1]} : vector<64x1000xbf16> to vector<64x128xbf16>
    %dot_general3A_22 = arith.constant dense<0.000000e+00> : vector<1000x128xf32>
    %dot_general3A_23 = tpu.matmul %convert_element_type3A, %slice3A_21, %dot_general3A_22 {dimension_numbers = #tpu.dot_dimension_numbers<[0], [0], [1], [1], [0, 1, 1, 1], [], []>, transpose_lhs_hint = false} : vector<64x1000xbf16>, vector<64x128xbf16>, vector<1000x128xf32> -> vector<1000x128xf32>
    %swap3A_24 = arith.constant 3000 : index
    %swap3A_25 = arith.constant 0 : index
    %swap3A_26 = vector.load %arg4[%swap3A_24, %swap3A_25] : memref<8000x128xf32, #tpu.memory_space<vmem>>, vector<1000x128xf32>
    tpu.vector_store %arg4[%swap3A_24, %swap3A_25], %dot_general3A_23 {strides = array<i32>} : memref<8000x128xf32, #tpu.memory_space<vmem>>, vector<1000x128xf32>,
    %slice3A_27 = vector.extract_strided_slice %convert_element_type3A_5 {offsets = [0, 512], sizes = [64, 128], strides = [1, 1]} : vector<64x1000xbf16> to vector<64x128xbf16>
    %dot_general3A_28 = arith.constant dense<0.000000e+00> : vector<1000x128xf32>
    %dot_general3A_29 = tpu.matmul %convert_element_type3A, %slice3A_27, %dot_general3A_28 {dimension_numbers = #tpu.dot_dimension_numbers<[0], [0], [1], [1], [0, 1, 1, 1], [], []>, transpose_lhs_hint = false} : vector<64x1000xbf16>, vector<64x128xbf16>, vector<1000x128xf32> -> vector<1000x128xf32>
    %swap3A_30 = arith.constant 4000 : index
    %swap3A_31 = arith.constant 0 : index
    %swap3A_32 = vector.load %arg4[%swap3A_30, %swap3A_31] : memref<8000x128xf32, #tpu.memory_space<vmem>>, vector<1000x128xf32>
    tpu.vector_store %arg4[%swap3A_30, %swap3A_31], %dot_general3A_29 {strides = array<i32>} : memref<8000x128xf32, #tpu.memory_space<vmem>>, vector<1000x128xf32>,
    %slice3A_33 = vector.extract_strided_slice %convert_element_type3A_5 {offsets = [0, 640], sizes = [64, 128], strides = [1, 1]} : vector<64x1000xbf16> to vector<64x128xbf16>
    %dot_general3A_34 = arith.constant dense<0.000000e+00> : vector<1000x128xf32>
    %dot_general3A_35 = tpu.matmul %convert_element_type3A, %slice3A_33, %dot_general3A_34 {dimension_numbers = #tpu.dot_dimension_numbers<[0], [0], [1], [1], [0, 1, 1, 1], [], []>, transpose_lhs_hint = false} : vector<64x1000xbf16>, vector<64x128xbf16>, vector<1000x128xf32> -> vector<1000x128xf32>
    %swap3A_36 = arith.constant 5000 : index
    %swap3A_37 = arith.constant 0 : index
    %swap3A_38 = vector.load %arg4[%swap3A_36, %swap3A_37] : memref<8000x128xf32, #tpu.memory_space<vmem>>, vector<1000x128xf32>
    tpu.vector_store %arg4[%swap3A_36, %swap3A_37], %dot_general3A_35 {strides = array<i32>} : memref<8000x128xf32, #tpu.memory_space<vmem>>, vector<1000x128xf32>,
    %slice3A_39 = vector.extract_strided_slice %convert_element_type3A_5 {offsets = [0, 768], sizes = [64, 128], strides = [1, 1]} : vector<64x1000xbf16> to vector<64x128xbf16>
    %dot_general3A_40 = arith.constant dense<0.000000e+00> : vector<1000x128xf32>
    %dot_general3A_41 = tpu.matmul %convert_element_type3A, %slice3A_39, %dot_general3A_40 {dimension_numbers = #tpu.dot_dimension_numbers<[0], [0], [1], [1], [0, 1, 1, 1], [], []>, transpose_lhs_hint = false} : vector<64x1000xbf16>, vector<64x128xbf16>, vector<1000x128xf32> -> vector<1000x128xf32>
    %swap3A_42 = arith.constant 6000 : index
    %swap3A_43 = arith.constant 0 : index
    %swap3A_44 = vector.load %arg4[%swap3A_42, %swap3A_43] : memref<8000x128xf32, #tpu.memory_space<vmem>>, vector<1000x128xf32>
    tpu.vector_store %arg4[%swap3A_42, %swap3A_43], %dot_general3A_41 {strides = array<i32>} : memref<8000x128xf32, #tpu.memory_space<vmem>>, vector<1000x128xf32>,
    %slice3A_45 = vector.extract_strided_slice %convert_element_type3A_5 {offsets = [0, 896], sizes = [64, 104], strides = [1, 1]} : vector<64x1000xbf16> to vector<64x104xbf16>
    %dot_general3A_46 = arith.constant dense<0.000000e+00> : vector<1000x104xf32>
    %dot_general3A_47 = tpu.matmul %convert_element_type3A, %slice3A_45, %dot_general3A_46 {dimension_numbers = #tpu.dot_dimension_numbers<[0], [0], [1], [1], [0, 1, 1, 1], [], []>, transpose_lhs_hint = false} : vector<64x1000xbf16>, vector<64x104xbf16>, vector<1000x104xf32> -> vector<1000x104xf32>
    %swap3A_48 = arith.constant 7000 : index
    %swap3A_49 = arith.constant 0 : index
    %swap3A_50 = vector.load %arg4[%swap3A_48, %swap3A_49] : memref<8000x128xf32, #tpu.memory_space<vmem>>, vector<1000x104xf32>
    tpu.vector_store %arg4[%swap3A_48, %swap3A_49], %dot_general3A_47 {strides = array<i32>} : memref<8000x128xf32, #tpu.memory_space<vmem>>, vector<1000x104xf32>,
    %get3A_51 = arith.constant 0 : index
    %get3A_52 = arith.constant 0 : index
    %get3A_53 = vector.load %arg2[%get3A_51, %get3A_52] : memref<128x128xi32, #tpu.memory_space<vmem>>, vector<128x128xi32>
    %shift_right_logical3A = arith.constant 7 : i32
    %shift_right_logical3A_54 = vector.broadcast %shift_right_logical3A : i32 to vector<128x128xi32>
    %shift_right_logical3A_55 = arith.shrui %get3A_53, %shift_right_logical3A_54 : vector<128x128xi32>
    %mul3A = arith.constant 128000 : i32
    %mul3A_56 = vector.broadcast %mul3A : i32 to vector<128x128xi32>
    %mul3A_57 = arith.muli %shift_right_logical3A_55, %mul3A_56 : vector<128x128xi32>
    %and3A = arith.constant 127 : i32
    %and3A_58 = vector.broadcast %and3A : i32 to vector<128x128xi32>
    %and3A_59 = arith.andi %get3A_53, %and3A_58 : vector<128x128xi32>
    %add3A = arith.addi %mul3A_57, %and3A_59 : vector<128x128xi32>
    %get3A_60 = arith.constant 0 : index
    %get3A_61 = arith.constant 0 : index
    %get3A_62 = vector.load %arg3[%get3A_60, %get3A_61] : memref<640x128xi32, #tpu.memory_space<vmem>>, vector<128x128xi32>
    %mul3A_63 = arith.constant 128 : i32
    %mul3A_64 = vector.broadcast %mul3A_63 : i32 to vector<128x128xi32>
    %mul3A_65 = arith.muli %get3A_62, %mul3A_64 : vector<128x128xi32>
    %add3A_66 = arith.addi %mul3A_65, %add3A : vector<128x128xi32>
    %swap3A_67 = arith.constant 0 : index
    %swap3A_68 = arith.constant 0 : index
    %swap3A_69 = vector.load %arg5[%swap3A_67, %swap3A_68] : memref<640x128xi32, #tpu.memory_space<vmem>>, vector<128x128xi32>
    tpu.vector_store %arg5[%swap3A_67, %swap3A_68], %add3A_66 {strides = array<i32>} : memref<640x128xi32, #tpu.memory_space<vmem>>, vector<128x128xi32>,
    %get3A_70 = arith.constant 128 : index
    %get3A_71 = arith.constant 0 : index
    %get3A_72 = vector.load %arg3[%get3A_70, %get3A_71] : memref<640x128xi32, #tpu.memory_space<vmem>>, vector<128x128xi32>
    %mul3A_73 = arith.constant 128 : i32
    %mul3A_74 = vector.broadcast %mul3A_73 : i32 to vector<128x128xi32>
    %mul3A_75 = arith.muli %get3A_72, %mul3A_74 : vector<128x128xi32>
    %add3A_76 = arith.addi %mul3A_75, %add3A : vector<128x128xi32>
    %swap3A_77 = arith.constant 128 : index
    %swap3A_78 = arith.constant 0 : index
    %swap3A_79 = vector.load %arg5[%swap3A_77, %swap3A_78] : memref<640x128xi32, #tpu.memory_space<vmem>>, vector<128x128xi32>
    tpu.vector_store %arg5[%swap3A_77, %swap3A_78], %add3A_76 {strides = array<i32>} : memref<640x128xi32, #tpu.memory_space<vmem>>, vector<128x128xi32>,
    %get3A_80 = arith.constant 256 : index
    %get3A_81 = arith.constant 0 : index
    %get3A_82 = vector.load %arg3[%get3A_80, %get3A_81] : memref<640x128xi32, #tpu.memory_space<vmem>>, vector<128x128xi32>
    %mul3A_83 = arith.constant 128 : i32
    %mul3A_84 = vector.broadcast %mul3A_83 : i32 to vector<128x128xi32>
    %mul3A_85 = arith.muli %get3A_82, %mul3A_84 : vector<128x128xi32>
    %add3A_86 = arith.addi %mul3A_85, %add3A : vector<128x128xi32>
    %swap3A_87 = arith.constant 256 : index
    %swap3A_88 = arith.constant 0 : index
    %swap3A_89 = vector.load %arg5[%swap3A_87, %swap3A_88] : memref<640x128xi32, #tpu.memory_space<vmem>>, vector<128x128xi32>
    tpu.vector_store %arg5[%swap3A_87, %swap3A_88], %add3A_86 {strides = array<i32>} : memref<640x128xi32, #tpu.memory_space<vmem>>, vector<128x128xi32>,
    %get3A_90 = arith.constant 384 : index
    %get3A_91 = arith.constant 0 : index
    %get3A_92 = vector.load %arg3[%get3A_90, %get3A_91] : memref<640x128xi32, #tpu.memory_space<vmem>>, vector<128x128xi32>
    %mul3A_93 = arith.constant 128 : i32
    %mul3A_94 = vector.broadcast %mul3A_93 : i32 to vector<128x128xi32>
    %mul3A_95 = arith.muli %get3A_92, %mul3A_94 : vector<128x128xi32>
    %add3A_96 = arith.addi %mul3A_95, %add3A : vector<128x128xi32>
    %swap3A_97 = arith.constant 384 : index
    %swap3A_98 = arith.constant 0 : index
    %swap3A_99 = vector.load %arg5[%swap3A_97, %swap3A_98] : memref<640x128xi32, #tpu.memory_space<vmem>>, vector<128x128xi32>
    tpu.vector_store %arg5[%swap3A_97, %swap3A_98], %add3A_96 {strides = array<i32>} : memref<640x128xi32, #tpu.memory_space<vmem>>, vector<128x128xi32>,
    %get3A_100 = arith.constant 512 : index
    %get3A_101 = arith.constant 0 : index
    %get3A_102 = vector.load %arg3[%get3A_100, %get3A_101] : memref<640x128xi32, #tpu.memory_space<vmem>>, vector<128x128xi32>
    %mul3A_103 = arith.constant 128 : i32
    %mul3A_104 = vector.broadcast %mul3A_103 : i32 to vector<128x128xi32>
    %mul3A_105 = arith.muli %get3A_102, %mul3A_104 : vector<128x128xi32>
    %add3A_106 = arith.addi %mul3A_105, %add3A : vector<128x128xi32>
    %swap3A_107 = arith.constant 512 : index
    %swap3A_108 = arith.constant 0 : index
    %swap3A_109 = vector.load %arg5[%swap3A_107, %swap3A_108] : memref<640x128xi32, #tpu.memory_space<vmem>>, vector<128x128xi32>
    tpu.vector_store %arg5[%swap3A_107, %swap3A_108], %add3A_106 {strides = array<i32>} : memref<640x128xi32, #tpu.memory_space<vmem>>, vector<128x128xi32>,
    return
  }
}

</mosaic_0001>

<sc_bundles>
// kernel: kernel.4.cloned.1.call-start
scs
__scs_entry_jumppad:
0x0: {  	(pc) =	sbr.rel $0x88, $3  }
0x1: {  	(tag) =	ssettag $0x0;
	lr =	simm.s32 $0x1  }
0x2: {  	[smem:$0x3F9D] =	sst lr;
	_ =	strace $0xD0000000  }
0x3: {  	_ = 	snop  }
0x4: {  	_ = 	snop  }
0x5: {  	_ = 	snop  }
0x6: {  	_ = 	snop  }
0x7: {  	_ = 	snop  }
__scs_overlays_trampoline_lowered:
0x8: {  	[smem:$0x3FAC] =	sst s0  }
0x9: {  	[smem:$0x3FAD] =	sst s1  }
0xa: {  	[smem:$0x3FAE] =	sst s2  }
0xb: {  	[smem:$0x3FAF] =	sst s3  }
0xc: {  	[smem:$0x3FB0] =	sst s4  }
0xd: {  	[smem:$0x3FB1] =	sst s5  }
0xe: {  	[smem:$0x3FB2] =	sst s6  }
0xf: {  	[smem:$0x3FB3] =	sst s7  }
0x10: {  	[smem:$0x3FB4] =	sst s8  }
0x11: {  	[smem:$0x3FB5] =	sst s9;
	s0 =	simm.s32 @!p0 $0x0  }
0x12: {  	s1 =	sld [smem:$0x3F9B];
	s0 =	simm.s32 @p0 $0x1  }
0x13: {  	[smem:$0x3FB6] =	sst s0;
	s0 =	simm.s32 @!p1 $0x0  }
0x14: {  	s2 =	sld [smem:$0x3F9A];
	s0 =	simm.s32 @p1 $0x1  }
0x15: {  	[smem:$0x3FB7] =	sst s0;
	s0 =	simm.s32 @!p2 $0x0  }
0x16: {  	s3 =	sld [smem:$0x3FDB];
	s0 =	simm.s32 @p2 $0x1  }
0x17: {  	s4 =	simm.s32 $0x1BF5;
	[smem:$0x3FB9] =	sst s0  }
0x18: {  	s0 =	sld [smem:$0x3F9C];
	_ =	swait.ge [sflag:s4], $0x0  }
0x19: {  	s7 =	sld [smem:$0x3F9D]  }
0x1a: {  	s8 =	sadd.s32 $0xFFFFE003, lr  }
0x1b: {  	s9 =	sadd.s32 $0xFFFFFEF7, lr;
	s5 =	simm.s32 $0xFFFFFFFF;
	p2 =	slt.u32 s8, $0xFFFFF086  }
0x1c: {  	p1 =	slt.u32 s9, $0xF7A;
	s5 =	simm.s32 @!p2 $0x0  }
0x1d: {  	s5 =	simm.s32 @p1 $0x1;
	p0 =	seq.s32 s7, s2  }
0x1e: {  	s7 =	smul.u32 @!p0 $0xF7A, s2;
	p2 =	seq.s32 @!p0 s5, $0x0  }
0x1f: {  	s9 =	smul.u32 $0xF7A, s1;
	s8 =	simm.s32 @!p0 $0x1BF5;
	p2 =	por !p2, p0  }
0x20: {  	[sflag:s8] =	ssyncset.s32 @!p0 $0xFFFFF086;
	s6 =	sadd.s32 @!p0 s3, s7;
	s7 =	simm.s32 @!p0 $0x108  }
0x21: {  	s3 =	sadd.s32 s3, s9;
	s6 =	sadd.s32 @!p0 $0x88, s6;
	s7 =	simm.s32 @p2 $0x1082  }
0x22: {  	[simem:s7], [sflag:s8] =	dma.local @!p0 [hbm:s6], $0xF7A  }
0x23: {  	s9 =	sor.u32 $0xD0000000, s2;
	s6 =	simm.s32 $0x108;
	_ =	swait.ge @!p0 [sflag:s8], $0x0  }
0x24: {  	s3 =	sadd.s32 $0x88, s3;
	s6 =	simm.s32 @!p1 $0x1082;
	[sflag:s4] =	ssyncset.s32 $0xFFFFF086  }
0x25: {  	[simem:s6], [sflag:s4] =	dma.local [hbm:s3], $0xF7A  }
0x26: {  	[smem:$0x3F9D] =	sst s1;
	(tag) =	ssettag s2;
	_ =	strace s9  }
0x27: {  	s1 =	sld [smem:$0x3FAD]  }
0x28: {  	s2 =	sld [smem:$0x3FAE]  }
0x29: {  	s4 =	sld [smem:$0x3FB0]  }
0x2a: {  	p0 =	seq.s32 s5, $0x0;
	s5 =	sld [smem:$0x3FB1]  }
0x2b: {  	s6 =	sld [smem:$0x3FB2]  }
0x2c: {  	s7 =	sld [smem:$0x3FB3]  }
0x2d: {  	s3 =	simm.s32 $0x108;
	s8 =	sld [smem:$0x3FB4]  }
0x2e: {  	s3 =	simm.s32 @!p0 $0x1082;
	s9 =	sld [smem:$0x3FB5]  }
0x2f: {  	lr =	sadd.s32 s0, s3;
	s0 =	sld [smem:$0x3FAC]  }
0x30: {  	s3 =	sld [smem:$0x3FAF]  }
0x31: {  	[smem:$0x3FB8] =	sst s10  }
0x32: {  	s10 =	sld [smem:$0x3FB6];
	_ =	sdelay $0x3  }
0x33: {  	p0 =	seq.s32 s10, $0x1;
	s10 =	sld [smem:$0x3FB8];
	_ =	sdelay $0x3  }
0x34: {  	[smem:$0x3FB8] =	sst s10  }
0x35: {  	s10 =	sld [smem:$0x3FB7];
	_ =	sdelay $0x3  }
0x36: {  	p1 =	seq.s32 s10, $0x1;
	s10 =	sld [smem:$0x3FB8];
	_ =	sdelay $0x3  }
0x37: {  	[smem:$0x3FB8] =	sst s10  }
0x38: {  	s10 =	sld [smem:$0x3FB9]  }
0x39: {  	_ = 	snop;
	(pc) =	sbr.ind lr, $3  }
0x3a: {  	_ = 	snop  }
0x3b: {  	_ = 	snop  }
0x3c: {  	p2 =	seq.s32 s10, $0x1;
	s10 =	sld [smem:$0x3FB8]  }
0x3d: {  	_ =	shalt  }
0x3e: {  	_ =	shalt  }
0x3f: {  	_ =	shalt  }
0x40: {  	_ =	shalt  }
0x41: {  	_ =	shalt  }
0x42: {  	_ =	shalt  }
0x43: {  	_ =	shalt  }
0x44: {  	_ =	shalt  }
0x45: {  	_ =	shalt  }
0x46: {  	_ =	shalt  }
0x47: {  	_ =	shalt  }
0x48: {  	_ =	shalt  }
0x49: {  	_ =	shalt  }
0x4a: {  	_ =	shalt  }
0x4b: {  	_ =	shalt  }
0x4c: {  	_ =	shalt  }
0x4d: {  	_ =	shalt  }
0x4e: {  	_ =	shalt  }
0x4f: {  	_ =	shalt  }
0x50: {  	_ =	shalt  }
0x51: {  	_ =	shalt  }
0x52: {  	_ =	shalt  }
0x53: {  	_ =	shalt  }
0x54: {  	_ =	shalt  }
0x55: {  	_ =	shalt  }
0x56: {  	_ =	shalt  }
0x57: {  	_ =	shalt  }
0x58: {  	_ =	shalt  }
0x59: {  	_ =	shalt  }
0x5a: {  	_ =	shalt  }
0x5b: {  	_ =	shalt  }
0x5c: {  	_ =	shalt  }
0x5d: {  	_ =	shalt  }
0x5e: {  	_ =	shalt  }
0x5f: {  	_ =	shalt  }
0x60: {  	_ =	shalt  }
0x61: {  	_ =	shalt  }
0x62: {  	_ =	shalt  }
0x63: {  	_ =	shalt  }
0x64: {  	_ =	shalt  }
0x65: {  	_ =	shalt  }
0x66: {  	_ =	shalt  }
0x67: {  	_ =	shalt  }
0x68: {  	_ =	shalt  }
0x69: {  	_ =	shalt  }
0x6a: {  	_ =	shalt  }
0x6b: {  	_ =	shalt  }
0x6c: {  	_ =	shalt  }
0x6d: {  	_ =	shalt  }
0x6e: {  	_ =	shalt  }
0x6f: {  	_ =	shalt  }
0x70: {  	_ =	shalt  }
0x71: {  	_ =	shalt  }
0x72: {  	_ =	shalt  }
0x73: {  	_ =	shalt  }
0x74: {  	_ =	shalt  }
0x75: {  	_ =	shalt  }
0x76: {  	_ =	shalt  }
0x77: {  	_ =	shalt  }
0x78: {  	_ =	shalt  }
0x79: {  	_ =	shalt  }
0x7a: {  	_ =	shalt  }
0x7b: {  	_ =	shalt  }
0x7c: {  	_ =	shalt  }
0x7d: {  	_ =	shalt  }
0x7e: {  	_ =	shalt  }
0x7f: {  	_ =	shalt  }
0x80: {  	_ =	shalt  }
0x81: {  	_ =	shalt  }
0x82: {  	_ =	shalt  }
0x83: {  	_ =	shalt  }
0x84: {  	_ =	shalt  }
0x85: {  	_ =	shalt  }
0x86: {  	_ =	shalt  }
0x87: {  	_ =	shalt  }
.Lfunc_end0:
.L_simem_size_0:
called_computation_lowered:
.L_overlay_start_0:
0x88: {  	s2 =	sld [smem:$0x3FD9]  }
0x89: {  	s3 =	sld [smem:$0x3FFE];
	_ =	sdelay $0x1  }
0x8a: {  	s1 =	srdreg.scid  }
0x8b: {  	s0 =	sand.u32 $0x1, s1  }
0x8c: {  	s17 =	sshll.u32 s0, $0xA;
	s2 =	sadd.s32 s3, s2  }
0x8d: {  	s2 =	sadd.s32 s2, s17  }
0x8e: {  	[smem:$0x3FC4] =	sst s2  }
0x8f: {  	_ = 	snop  }
0x90: {  	s2 =	sld [smem:$0x3FD0];
	(tm) =	ssettm $0x1  }
0x91: {  	s18 =	sld [smem:$0x3FFB];
	_ =	sdelay $0x3  }
0x92: {  	_ =	strace s18  }
0x93: {  	s3 =	sld [smem:$0x3FFC];
	_ =	sdelay $0x3  }
0x94: {  	_ =	strace s3  }
0x95: {  	s3 =	sld [smem:$0x3FFD];
	_ =	sdelay $0x3  }
0x96: {  	_ =	strace s3  }
0x97: {  	_ =	strace $0x8FFFFFFF  }
0x98: {  	s19 =	sld [smem:$0x3FDB];
	_ =	sdelay $0x1  }
0x99: {  	s4 =	simm.s32 $_scs_section_size  }
0x9a: {  	s5 =	simm.s32 $_size__tile_overlayer_lowered;
	s6 =	simm.s32 $_tile_overlayer_lowered  }
0x9b: {  	s22 =	simm.s32 $0x1BFF;
	s21 =	sshll.u32 s6, $0x1;
	s3 =	sadd.s32 s4, s19  }
0x9c: {  	s7 =	simm.s32 $0x0;
	s20 =	sshll.u32 s5, $0x1;
	s5 =	sadd.s32 s21, s3  }
0x9d: {  	[timem:s7], [sflag:s22] =	dma.local [hbm:s5], s20  }
0x9e: {  	_ =	swait.ge [sflag:s22], s20  }
0x9f: {  	s4 =	ssub.s32 $0x0, s20;
	[sflag:s22] =	ssyncset.done $0x0  }
0xa0: {  	[sflag:s22] =	ssyncadd.s32 s4;
	_ =	sdelay $0x1  }
0xa1: {  	s23 =	simm.s32 $0x1B8B  }
0xa2: {  	_ =	swait.ge [sflag:s23], $0x1  }
0xa3: {  	[sflag:s23] =	ssyncset.done $0x0  }
0xa4: {  	s25 =	simm.s32 $0x1B8E;
	s24 =	sld [smem:$0x3FFE];
	[sflag:s23] =	ssyncadd.s32 $0xFFFFFFFF  }
0xa5: {  	s26 =	simm.s32 $execute0_lowered;
	[smem:$0x3FD2] =	sst s25  }
0xa6: {  	s5 =	sshll.u32 s26, $0x1;
	_ =	strace $0x80000046;
	[dreg:$0x1] =	wrdreg $0xFFFFFFFF  }
0xa7: {  	s28 =	simm.s32 $_size_execute0_lowered;
	s3 =	sadd.s32 s3, s5;
	[dreg:$0x0] =	wrdreg $0x0  }
0xa8: {  	s5 =	sshll.u32 s28, $0x1;
	[dreg:$0x2] =	wrdreg s3  }
0xa9: {  	[dreg:$0x3] =	wrdreg s5  }
0xaa: {  	[dreg:$0x4] =	wrdreg $0xC0  }
0xab: {  	_ =	task [dreg:s7], $0x5FFFF  }
0xac: {  	[dreg:$0x1] =	wrdreg $0xFFFFFFFF  }
0xad: {  	[dreg:$0x0] =	wrdreg $0x60  }
0xae: {  	[dreg:$0x2] =	wrdreg s24  }
0xaf: {  	[dreg:$0x3] =	wrdreg s2  }
0xb0: {  	[dreg:$0x4] =	wrdreg $0x9  }
0xb1: {  	_ =	task.clear_ibuf [dreg:s7], $0x5FFFF;
	_ =	strace $0x90000046  }
0xb2: {  	s29 =	simm.s32 $0x9;
	_ =	strace $0x80000048  }
0xb3: {  	_ =	swait.ge [sflag:s29], $0x1  }
0xb4: {  	[sflag:s29] =	ssyncadd.s32 $0xFFFFFFFF  }
0xb5: {  	_ =	strace $0x90000048  }
0xb6: {  	_ =	sfence  }
0xb7: {  	s30 =	sld [smem:$0x0];
	_ =	sdelay $0x2  }
0xb8: {  	s31 =	sshll.u32 s1, $0xD;
	s1 =	sshrl.u32 s1, $0x2  }
0xb9: {  	s3 =	sand.u32 $0x4000, s31;
	s1 =	sadd.s32 s1, s30  }
0xba: {  	s0 =	sor.u32 s3, s0;
	s1 =	sshll.u32 s1, $0x11  }
0xbb: {  	s0 =	sor.u32 s1, s0  }
0xbc: {  	s0 =	sadd.s32 $0x8F2B, s0  }
0xbd: {  	[sflag:s0] =	ssyncadd.remote.s32 $0x1  }
0xbe: {  	_ =	sfence.sel $0xFFFF  }
0xbf: {  	[dreg:$0x0] =	wrdreg $0xFFFFFFFF;
	(pc) =	sbr.abs _section_cstart, $3  }
0xc0: {  	[dreg:$0x1] =	wrdreg $0xFFFFFFFF  }
0xc1: {  	_ =	task.clear_ibuf [dreg:s7], $0x2FFFF;
	_ =	strace $0x9FFFFFFF  }
0xc2: {  	(tm) =	ssettm $0x7FFFFFFF  }
0xc3: {  	_ =	shalt  }
tec
execute0_lowered:
.L_overlay_start_1:
0x0: {  	(tag) =	ssettag $0x1  }
0x1: {  	s1 =	srdreg.scid  }
0x2: {  	s0 =	stileid.u32;
	s1 =	sand.u32 $0x1, s1  }
0x3: {  	s9 =	rddreg [dreg:$0x0];
	s2 =	sshll.u32 s0, $0xA;
	s3 =	sshll.u32 s1, $0x9  }
0x4: {  	s4 =	rddreg [dreg:$0x1];
	s3 =	sor.u32 s3, s2;
	s2 =	simm.s32 $0x0  }
0x5: {  	s7 =	simm.s32 $0x100;
	[smem:$0x7FF] =	sst s2  }
0x6: {  	s8 =	simm.s32 $0x180;
	_ =	strace $0x80000047;
	[dreg:$0xb] =	wrdreg s7  }
0x7: {  	s10 =	simm.s32 $0xC80;
	[dreg:$0xc] =	wrdreg s8  }
0x8: {  	s11 =	simm.s32 $0x280;
	[dreg:$0xd] =	wrdreg s10  }
0x9: {  	s12 =	simm.s32 $0x1080;
	[dreg:$0xe] =	wrdreg s11  }
0xa: {  	s13 =	simm.s32 $0x300;
	[dreg:$0xf] =	wrdreg s12  }
0xb: {  	s14 =	simm.s32 $0x1480;
	[dreg:$0x10] =	wrdreg s13  }
0xc: {  	s15 =	simm.s32 $0x380;
	[dreg:$0x11] =	wrdreg s14  }
0xd: {  	s16 =	simm.s32 $0x1880;
	[dreg:$0x12] =	wrdreg s15  }
0xe: {  	s17 =	simm.s32 $0xD00;
	[dreg:$0x13] =	wrdreg s16  }
0xf: {  	s18 =	simm.s32 $0x480;
	[dreg:$0x14] =	wrdreg s17  }
0x10: {  	s19 =	simm.s32 $0x1100;
	[dreg:$0x15] =	wrdreg s18  }
0x11: {  	s20 =	simm.s32 $0x500;
	[dreg:$0x16] =	wrdreg s19  }
0x12: {  	s21 =	simm.s32 $0x1500;
	s22 =	simm.s32 $0x580;
	[dreg:$0x17] =	wrdreg s20  }
0x13: {  	s5 =	sshrl.u32 s3, $0x3;
	s3 =	sadd.s32 s4, s3;
	[dreg:$0x18] =	wrdreg s21  }
0x14: {  	s4 =	sadd.s32 $0x80, s3;
	[dreg:$0x19] =	wrdreg s22  }
0x15: {  	s5 =	sadd.s32 s5, s9;
	s10 =	simm.s32 $0x1900;
	[dreg:$0x8] =	wrdreg s4  }
0x16: {  	s6 =	sadd.s32 $0x20600, s5;
	[dreg:$0x1a] =	wrdreg s10  }
0x17: {  	s25 =	sadd.s32 $0x20E00, s5;
	[dreg:$0x3] =	wrdreg s6  }
0x18: {  	s26 =	sadd.s32 $0x21600, s5;
	[dreg:$0x4] =	wrdreg s25  }
0x19: {  	s0 =	sadd.s32 $0x21E00, s5;
	[dreg:$0x5] =	wrdreg s26  }
0x1a: {  	s5 =	sadd.s32 $0x22600, s5;
	[dreg:$0x6] =	wrdreg s0  }
0x1b: {  	[dreg:$0x7] =	wrdreg s5;
	s5 =	sadd.s32 $0x100, s3  }
0x1c: {  	s6 =	sadd.s32 $0x180, s3;
	[dreg:$0x9] =	wrdreg s5  }
0x1d: {  	[dreg:$0xa] =	wrdreg s6  }
0x1e: {  	s23 =	rddreg [dreg:$0x3]  }
0x1f: {  	[tilespmem:s2], [sflag:$0x2] =	stream.linear.gather [hbm4b:s23+s2], $0x200, $0x38;
	[tilespmem:$0x1C00] =	vst v63  }
0x20: {  	s4 =	simm.s32 $0x200;
	s24 =	rddreg [dreg:$0x4]  }
0x21: {  	[tilespmem:s4], [sflag:$0x2] =	stream.linear.gather [hbm4b:s24+s2], $0x200, $0x38;
	[tilespmem:$0x1C00] =	vst v63  }
0x22: {  	s7 =	rddreg [dreg:$0x5];
	s5 =	simm.s32 $0x400  }
0x23: {  	[tilespmem:s5], [sflag:$0x2] =	stream.linear.gather [hbm4b:s7+s2], $0x200, $0x38;
	[tilespmem:$0x1C00] =	vst v63  }
0x24: {  	s8 =	rddreg [dreg:$0x6];
	s6 =	simm.s32 $0x600  }
0x25: {  	[tilespmem:s6], [sflag:$0x2] =	stream.linear.gather [hbm4b:s8+s2], $0x200, $0x38;
	[tilespmem:$0x1C00] =	vst v63  }
0x26: {  	s11 =	rddreg [dreg:$0x7];
	s7 =	simm.s32 $0x800;
	s8 =	simm.s32 $0x2  }
0x27: {  	[tilespmem:s7], [sflag:$0x2] =	stream.linear.gather [hbm4b:s11+s2], $0x200, $0x38;
	[tilespmem:$0x1C00] =	vst v63  }
0x28: {  	_ =	swait.ge [sflag:s8], $0x200  }
0x29: {  	s9 =	sadd.s32 $0x1200, s9;
	[sflag:s8] =	ssyncset.done $0x0  }
0x2a: {  	s10 =	simm.s32 $0x80;
	s11 =	simm.s32 $0xC00;
	[sflag:s8] =	ssyncadd.s32 $0xFFFFFE00  }
0x2b: {  	[tilespmem:s11], [sflag:$0x1] =	stream.indirect.gather [hbm4b:s9+s10], $0x1, s2, s10, $0xb8;
	[tilespmem:$0x1C00] =	vst v63  }
0x2c: {  	s12 =	simm.s32 $0x1000  }
0x2d: {  	[tilespmem:s12], [sflag:$0x1] =	stream.indirect.gather [hbm4b:s9+s10], $0x1, s10, s10, $0xb8;
	[tilespmem:$0x1C00] =	vst v63  }
0x2e: {  	s13 =	simm.s32 $0x1400;
	s14 =	rddreg [dreg:$0xb]  }
0x2f: {  	[tilespmem:s13], [sflag:$0x1] =	stream.indirect.gather [hbm4b:s9+s10], $0x1, s14, s10, $0xb8;
	[tilespmem:$0x1C00] =	vst v63  }
0x30: {  	s15 =	rddreg [dreg:$0xc];
	s14 =	simm.s32 $0x1800  }
0x31: {  	[tilespmem:s14], [sflag:$0x1] =	stream.indirect.gather [hbm4b:s9+s10], $0x1, s15, s10, $0xb8;
	[tilespmem:$0x1C00] =	vst v63  }
0x32: {  	_ =	swait.ge [sflag:s8], $0x200  }
0x33: {  	s25 =	rddreg [dreg:$0x12]  }
0x34: {  	s16 =	rddreg [dreg:$0xf]  }
0x35: {  	s17 =	rddreg [dreg:$0xd];
	[sflag:s8] =	ssyncset.done $0x0  }
0x36: {  	s18 =	rddreg [dreg:$0x11];
	[sflag:s8] =	ssyncadd.s32 $0xFFFFFE00  }
0x37: {  	[tilespmem:s17], [sflag:$0x1] =	stream.indirect.gather [hbm4b:s9+s10], $0x1, s4, s10, $0xb8;
	[tilespmem:$0x1C00] =	vst v63  }
0x38: {  	s19 =	rddreg [dreg:$0xe]  }
0x39: {  	[tilespmem:s16], [sflag:$0x1] =	stream.indirect.gather [hbm4b:s9+s10], $0x1, s19, s10, $0xb8;
	[tilespmem:$0x1C00] =	vst v63  }
0x3a: {  	s26 =	rddreg [dreg:$0x10]  }
0x3b: {  	[tilespmem:s18], [sflag:$0x1] =	stream.indirect.gather [hbm4b:s9+s10], $0x1, s26, s10, $0xb8;
	[tilespmem:$0x1C00] =	vst v63  }
0x3c: {  	s0 =	rddreg [dreg:$0x13]  }
0x3d: {  	[tilespmem:s0], [sflag:$0x1] =	stream.indirect.gather [hbm4b:s9+s10], $0x1, s25, s10, $0xb8;
	[tilespmem:$0x1C00] =	vst v63  }
0x3e: {  	_ =	swait.ge [sflag:s8], $0x200  }
0x3f: {  	s16 =	rddreg [dreg:$0x15]  }
0x40: {  	s18 =	rddreg [dreg:$0x16]  }
0x41: {  	s19 =	rddreg [dreg:$0x14];
	[sflag:s8] =	ssyncset.done $0x0  }
0x42: {  	s20 =	rddreg [dreg:$0x18];
	[sflag:s8] =	ssyncadd.s32 $0xFFFFFE00  }
0x43: {  	[tilespmem:s19], [sflag:$0x1] =	stream.indirect.gather [hbm4b:s9+s10], $0x1, s5, s10, $0xb8;
	[tilespmem:$0x1C00] =	vst v63  }
0x44: {  	s21 =	rddreg [dreg:$0x1a]  }
0x45: {  	[tilespmem:s18], [sflag:$0x1] =	stream.indirect.gather [hbm4b:s9+s10], $0x1, s16, s10, $0xb8;
	[tilespmem:$0x1C00] =	vst v63  }
0x46: {  	s22 =	rddreg [dreg:$0x17]  }
0x47: {  	[tilespmem:s20], [sflag:$0x1] =	stream.indirect.gather [hbm4b:s9+s10], $0x1, s22, s10, $0xb8;
	[tilespmem:$0x1C00] =	vst v63  }
0x48: {  	s23 =	rddreg [dreg:$0x19]  }
0x49: {  	[tilespmem:s21], [sflag:$0x1] =	stream.indirect.gather [hbm4b:s9+s10], $0x1, s23, s10, $0xb8;
	[tilespmem:$0x1C00] =	vst v63  }
0x4a: {  	_ =	swait.ge [sflag:s8], $0x200  }
0x4b: {  	[sflag:s8] =	ssyncset.done $0x0  }
0x4c: {  	s24 =	simm.s32 $0xD80;
	[sflag:s8] =	ssyncadd.s32 $0xFFFFFE00  }
0x4d: {  	[tilespmem:s24], [sflag:$0x1] =	stream.indirect.gather [hbm4b:s9+s10], $0x1, s6, s10, $0xb8;
	[tilespmem:$0x1C00] =	vst v63  }
0x4e: {  	s26 =	simm.s32 $0x1180;
	s25 =	simm.s32 $0x680  }
0x4f: {  	[tilespmem:s26], [sflag:$0x1] =	stream.indirect.gather [hbm4b:s9+s10], $0x1, s25, s10, $0xb8;
	[tilespmem:$0x1C00] =	vst v63  }
0x50: {  	s15 =	simm.s32 $0x700;
	s16 =	simm.s32 $0x1580  }
0x51: {  	[tilespmem:s16], [sflag:$0x1] =	stream.indirect.gather [hbm4b:s9+s10], $0x1, s15, s10, $0xb8;
	[tilespmem:$0x1C00] =	vst v63  }
0x52: {  	s20 =	simm.s32 $0x780;
	s21 =	simm.s32 $0x1980  }
0x53: {  	[tilespmem:s21], [sflag:$0x1] =	stream.indirect.gather [hbm4b:s9+s10], $0x1, s20, s10, $0xb8;
	[tilespmem:$0x1C00] =	vst v63  }
0x54: {  	_ =	swait.ge [sflag:s8], $0x200  }
0x55: {  	[sflag:s8] =	ssyncset.done $0x0  }
0x56: {  	s22 =	simm.s32 $0xE00;
	[sflag:s8] =	ssyncadd.s32 $0xFFFFFE00  }
0x57: {  	[tilespmem:s22], [sflag:$0x1] =	stream.indirect.gather [hbm4b:s9+s10], $0x1, s7, s10, $0xb8;
	[tilespmem:$0x1C00] =	vst v63  }
0x58: {  	s23 =	simm.s32 $0x880;
	s24 =	simm.s32 $0x1200  }
0x59: {  	[tilespmem:s24], [sflag:$0x1] =	stream.indirect.gather [hbm4b:s9+s10], $0x1, s23, s10, $0xb8;
	[tilespmem:$0x1C00] =	vst v63  }
0x5a: {  	s25 =	simm.s32 $0x900;
	s26 =	simm.s32 $0x1600  }
0x5b: {  	[tilespmem:s26], [sflag:$0x1] =	stream.indirect.gather [hbm4b:s9+s10], $0x1, s25, s10, $0xb8;
	[tilespmem:$0x1C00] =	vst v63  }
0x5c: {  	s28 =	simm.s32 $0x980;
	s29 =	simm.s32 $0x1A00;
	s30 =	simm.s32 $0x1  }
0x5d: {  	[tilespmem:s29], [sflag:$0x1] =	stream.indirect.gather [hbm4b:s9+s10], $0x1, s28, s10, $0xb8;
	[tilespmem:$0x1C00] =	vst v63  }
0x5e: {  	_ =	swait.ge [sflag:s30], $0x80  }
0x5f: {  	[sflag:s30] =	ssyncset.done $0x0  }
0x60: {  	[sflag:s30] =	ssyncadd.s32 $0xFFFFFF80  }
0x61: {  	_ =	swait.ge [sflag:s30], $0x80  }
0x62: {  	[sflag:s30] =	ssyncset.done $0x0  }
0x63: {  	[sflag:s30] =	ssyncadd.s32 $0xFFFFFF80  }
0x64: {  	_ =	swait.ge [sflag:s30], $0x80  }
0x65: {  	[sflag:s30] =	ssyncset.done $0x0  }
0x66: {  	[sflag:s30] =	ssyncadd.s32 $0xFFFFFF80  }
0x67: {  	_ =	swait.ge [sflag:s30], $0x80  }
0x68: {  	[sflag:s30] =	ssyncset.done $0x0  }
0x69: {  	[sflag:s30] =	ssyncadd.s32 $0xFFFFFF80  }
0x6a: {  	_ =	swait.ge [sflag:s30], $0x80  }
0x6b: {  	[sflag:s30] =	ssyncset.done $0x0  }
0x6c: {  	[sflag:s30] =	ssyncadd.s32 $0xFFFFFF80  }
0x6d: {  	_ =	swait.ge [sflag:s30], $0x80  }
0x6e: {  	[sflag:s30] =	ssyncset.done $0x0  }
0x6f: {  	[sflag:s30] =	ssyncadd.s32 $0xFFFFFF80  }
0x70: {  	_ =	swait.ge [sflag:s30], $0x80  }
0x71: {  	[sflag:s30] =	ssyncset.done $0x0  }
0x72: {  	[sflag:s30] =	ssyncadd.s32 $0xFFFFFF80  }
0x73: {  	_ =	swait.ge [sflag:s30], $0x80  }
0x74: {  	[sflag:s30] =	ssyncset.done $0x0  }
0x75: {  	[sflag:s30] =	ssyncadd.s32 $0xFFFFFF80  }
0x76: {  	_ =	swait.ge [sflag:s30], $0x80  }
0x77: {  	[sflag:s30] =	ssyncset.done $0x0  }
0x78: {  	[sflag:s30] =	ssyncadd.s32 $0xFFFFFF80  }
0x79: {  	_ =	swait.ge [sflag:s30], $0x80  }
0x7a: {  	[sflag:s30] =	ssyncset.done $0x0  }
0x7b: {  	[sflag:s30] =	ssyncadd.s32 $0xFFFFFF80  }
0x7c: {  	_ =	swait.ge [sflag:s30], $0x80  }
0x7d: {  	[sflag:s30] =	ssyncset.done $0x0  }
0x7e: {  	[sflag:s30] =	ssyncadd.s32 $0xFFFFFF80  }
0x7f: {  	_ =	swait.ge [sflag:s30], $0x80  }
0x80: {  	[sflag:s30] =	ssyncset.done $0x0  }
0x81: {  	[sflag:s30] =	ssyncadd.s32 $0xFFFFFF80  }
0x82: {  	_ =	swait.ge [sflag:s30], $0x80  }
0x83: {  	[sflag:s30] =	ssyncset.done $0x0  }
0x84: {  	[sflag:s30] =	ssyncadd.s32 $0xFFFFFF80  }
0x85: {  	_ =	swait.ge [sflag:s30], $0x80  }
0x86: {  	[sflag:s30] =	ssyncset.done $0x0  }
0x87: {  	[sflag:s30] =	ssyncadd.s32 $0xFFFFFF80  }
0x88: {  	_ =	swait.ge [sflag:s30], $0x80  }
0x89: {  	[sflag:s30] =	ssyncset.done $0x0  }
0x8a: {  	[sflag:s30] =	ssyncadd.s32 $0xFFFFFF80  }
0x8b: {  	_ =	swait.ge [sflag:s30], $0x80  }
0x8c: {  	[sflag:s30] =	ssyncset.done $0x0  }
0x8d: {  	[sflag:s30] =	ssyncadd.s32 $0xFFFFFF80  }
0x8e: {  	_ =	swait.ge [sflag:s30], $0x80  }
0x8f: {  	[sflag:s30] =	ssyncset.done $0x0  }
0x90: {  	[sflag:s30] =	ssyncadd.s32 $0xFFFFFF80  }
0x91: {  	_ =	swait.ge [sflag:s30], $0x80  }
0x92: {  	[sflag:s30] =	ssyncset.done $0x0  }
0x93: {  	[sflag:s30] =	ssyncadd.s32 $0xFFFFFF80  }
0x94: {  	_ =	swait.ge [sflag:s30], $0x80  }
0x95: {  	[sflag:s30] =	ssyncset.done $0x0  }
0x96: {  	[sflag:s30] =	ssyncadd.s32 $0xFFFFFF80  }
0x97: {  	_ =	swait.ge [sflag:s30], $0x80  }
0x98: {  	[sflag:s30] =	ssyncset.done $0x0  }
0x99: {  	[sflag:s30] =	ssyncadd.s32 $0xFFFFFF80  }
0x9a: {  	[hbm4b:s3+s2] =	stream.linear.scatter [tilespmem:s11], [sflag:$0x3], $0x400, $0x38;
	[tilespmem:$0x1C00] =	vst v63  }
0x9b: {  	s31 =	rddreg [dreg:$0x8]  }
0x9c: {  	[hbm4b:s31+s2] =	stream.linear.scatter [tilespmem:s12], [sflag:$0x3], $0x400, $0x38;
	[tilespmem:$0x1C00] =	vst v63  }
0x9d: {  	s18 =	ssub.s32 $0x2, s1;
	s17 =	rddreg [dreg:$0x9]  }
0x9e: {  	[hbm4b:s17+s2] =	stream.linear.scatter [tilespmem:s13], [sflag:$0x3], $0x400, $0x38;
	[tilespmem:$0x1C00] =	vst v63  }
0x9f: {  	s1 =	sshrl.u32 s18, $0x1;
	s31 =	rddreg [dreg:$0xa]  }
0xa0: {  	[hbm4b:s31+s2] =	stream.linear.scatter [tilespmem:s14], [sflag:$0x3], $0x400, $0x38;
	[tilespmem:$0x1C00] =	vst v63  }
0xa1: {  	s0 =	ssub.s32 s18, s1;
	s31 =	simm.s32 $0x3  }
0xa2: {  	s0 =	smax.u32 s0, $0x1;
	_ =	swait.ge [sflag:s31], $0x400  }
0xa3: {  	p0 =	sne.s32 s0, $0x1;
	[sflag:s31] =	ssyncset.done $0x0  }
.Ltmp0:
0xa4: {  	[sflag:s31] =	ssyncadd.s32 $0xFFFFFC00;
	(pc) =	sbr.rel @!p0 .LBB2_2-.Ltmp0, $4  }
0xa5: {  	_ =	swait.ge [sflag:s31], $0x400  }
0xa6: {  	[sflag:s31] =	ssyncset.done $0x0  }
0xa7: {  	[sflag:s31] =	ssyncadd.s32 $0xFFFFFC00  }
0xa8: {  	s19 =	simm.s32 $0x1580;
	s1 =	sadd.s32 $0xFFFFFFFF, s0;
	_ =	swait.ge [sflag:s31], $0x400  }
.LBB2_1:
0xa9: {  	[sflag:s31] =	ssyncset.done $0x0  }
0xaa: {  	[sflag:s31] =	ssyncadd.s32 $0xFFFFFC00  }
0xab: {  	_ =	swait.ge [sflag:s31], $0x400  }
0xac: {  	[sflag:s31] =	ssyncset.done $0x0  }
0xad: {  	s0 =	rddreg [dreg:$0x3];
	[sflag:s31] =	ssyncadd.s32 $0xFFFFFC00  }
0xae: {  	[tilespmem:s2], [sflag:$0x2] =	stream.linear.gather [hbm4b:s0+s2], $0x200, $0x38;
	[tilespmem:$0x1C00] =	vst v63  }
0xaf: {  	s15 =	rddreg [dreg:$0x4]  }
0xb0: {  	[tilespmem:s4], [sflag:$0x2] =	stream.linear.gather [hbm4b:s15+s2], $0x200, $0x38;
	[tilespmem:$0x1C00] =	vst v63  }
0xb1: {  	s16 =	rddreg [dreg:$0x5]  }
0xb2: {  	[tilespmem:s5], [sflag:$0x2] =	stream.linear.gather [hbm4b:s16+s2], $0x200, $0x38;
	[tilespmem:$0x1C00] =	vst v63  }
0xb3: {  	s17 =	rddreg [dreg:$0x6]  }
0xb4: {  	[tilespmem:s6], [sflag:$0x2] =	stream.linear.gather [hbm4b:s17+s2], $0x200, $0x38;
	[tilespmem:$0x1C00] =	vst v63  }
0xb5: {  	s18 =	rddreg [dreg:$0x7]  }
0xb6: {  	[tilespmem:s7], [sflag:$0x2] =	stream.linear.gather [hbm4b:s18+s2], $0x200, $0x38;
	[tilespmem:$0x1C00] =	vst v63  }
0xb7: {  	_ =	swait.ge [sflag:s8], $0x200  }
0xb8: {  	[sflag:s8] =	ssyncset.done $0x0  }
0xb9: {  	[sflag:s8] =	ssyncadd.s32 $0xFFFFFE00  }
0xba: {  	[tilespmem:s11], [sflag:$0x1] =	stream.indirect.gather [hbm4b:s9+s10], $0x1, s2, s10, $0xb8;
	[tilespmem:$0x1C00] =	vst v63  }
0xbb: {  	_ = 	snop  }
0xbc: {  	[tilespmem:s12], [sflag:$0x1] =	stream.indirect.gather [hbm4b:s9+s10], $0x1, s10, s10, $0xb8;
	[tilespmem:$0x1C00] =	vst v63  }
0xbd: {  	s16 =	rddreg [dreg:$0xb]  }
0xbe: {  	[tilespmem:s13], [sflag:$0x1] =	stream.indirect.gather [hbm4b:s9+s10], $0x1, s16, s10, $0xb8;
	[tilespmem:$0x1C00] =	vst v63  }
0xbf: {  	s17 =	rddreg [dreg:$0xc]  }
0xc0: {  	[tilespmem:s14], [sflag:$0x1] =	stream.indirect.gather [hbm4b:s9+s10], $0x1, s17, s10, $0xb8;
	[tilespmem:$0x1C00] =	vst v63  }
0xc1: {  	_ =	swait.ge [sflag:s8], $0x200  }
0xc2: {  	s0 =	rddreg [dreg:$0x12]  }
0xc3: {  	s15 =	rddreg [dreg:$0xf]  }
0xc4: {  	[sflag:s8] =	ssyncset.done $0x0;
	s16 =	rddreg [dreg:$0xd]  }
0xc5: {  	s17 =	rddreg [dreg:$0x11];
	[sflag:s8] =	ssyncadd.s32 $0xFFFFFE00  }
0xc6: {  	[tilespmem:s16], [sflag:$0x1] =	stream.indirect.gather [hbm4b:s9+s10], $0x1, s4, s10, $0xb8;
	[tilespmem:$0x1C00] =	vst v63  }
0xc7: {  	s18 =	rddreg [dreg:$0xe]  }
0xc8: {  	[tilespmem:s15], [sflag:$0x1] =	stream.indirect.gather [hbm4b:s9+s10], $0x1, s18, s10, $0xb8;
	[tilespmem:$0x1C00] =	vst v63  }
0xc9: {  	s16 =	rddreg [dreg:$0x10]  }
0xca: {  	[tilespmem:s17], [sflag:$0x1] =	stream.indirect.gather [hbm4b:s9+s10], $0x1, s16, s10, $0xb8;
	[tilespmem:$0x1C00] =	vst v63  }
0xcb: {  	s18 =	rddreg [dreg:$0x13]  }
0xcc: {  	[tilespmem:s18], [sflag:$0x1] =	stream.indirect.gather [hbm4b:s9+s10], $0x1, s0, s10, $0xb8;
	[tilespmem:$0x1C00] =	vst v63  }
0xcd: {  	_ =	swait.ge [sflag:s8], $0x200  }
0xce: {  	s0 =	rddreg [dreg:$0x15]  }
0xcf: {  	s15 =	rddreg [dreg:$0x16]  }
0xd0: {  	[sflag:s8] =	ssyncset.done $0x0;
	s16 =	rddreg [dreg:$0x14]  }
0xd1: {  	s17 =	rddreg [dreg:$0x18];
	[sflag:s8] =	ssyncadd.s32 $0xFFFFFE00  }
0xd2: {  	[tilespmem:s16], [sflag:$0x1] =	stream.indirect.gather [hbm4b:s9+s10], $0x1, s5, s10, $0xb8;
	[tilespmem:$0x1C00] =	vst v63  }
0xd3: {  	s18 =	rddreg [dreg:$0x1a]  }
0xd4: {  	[tilespmem:s15], [sflag:$0x1] =	stream.indirect.gather [hbm4b:s9+s10], $0x1, s0, s10, $0xb8;
	[tilespmem:$0x1C00] =	vst v63  }
0xd5: {  	s16 =	rddreg [dreg:$0x17]  }
0xd6: {  	[tilespmem:s17], [sflag:$0x1] =	stream.indirect.gather [hbm4b:s9+s10], $0x1, s16, s10, $0xb8;
	[tilespmem:$0x1C00] =	vst v63  }
0xd7: {  	s15 =	rddreg [dreg:$0x19]  }
0xd8: {  	[tilespmem:s18], [sflag:$0x1] =	stream.indirect.gather [hbm4b:s9+s10], $0x1, s15, s10, $0xb8;
	[tilespmem:$0x1C00] =	vst v63  }
0xd9: {  	_ =	swait.ge [sflag:s8], $0x200  }
0xda: {  	[sflag:s8] =	ssyncset.done $0x0  }
0xdb: {  	s16 =	simm.s32 $0xD80;
	[sflag:s8] =	ssyncadd.s32 $0xFFFFFE00  }
0xdc: {  	[tilespmem:s16], [sflag:$0x1] =	stream.indirect.gather [hbm4b:s9+s10], $0x1, s6, s10, $0xb8;
	[tilespmem:$0x1C00] =	vst v63  }
0xdd: {  	s17 =	simm.s32 $0x680;
	s18 =	simm.s32 $0x1180  }
0xde: {  	[tilespmem:s18], [sflag:$0x1] =	stream.indirect.gather [hbm4b:s9+s10], $0x1, s17, s10, $0xb8;
	[tilespmem:$0x1C00] =	vst v63  }
0xdf: {  	s15 =	simm.s32 $0x700  }
0xe0: {  	[tilespmem:s19], [sflag:$0x1] =	stream.indirect.gather [hbm4b:s9+s10], $0x1, s15, s10, $0xb8;
	[tilespmem:$0x1C00] =	vst v63  }
0xe1: {  	_ = 	snop  }
0xe2: {  	[tilespmem:s21], [sflag:$0x1] =	stream.indirect.gather [hbm4b:s9+s10], $0x1, s20, s10, $0xb8;
	[tilespmem:$0x1C00] =	vst v63  }
0xe3: {  	_ =	swait.ge [sflag:s8], $0x200  }
0xe4: {  	[sflag:s8] =	ssyncset.done $0x0  }
0xe5: {  	[sflag:s8] =	ssyncadd.s32 $0xFFFFFE00  }
0xe6: {  	[tilespmem:s22], [sflag:$0x1] =	stream.indirect.gather [hbm4b:s9+s10], $0x1, s7, s10, $0xb8;
	[tilespmem:$0x1C00] =	vst v63  }
0xe7: {  	_ = 	snop  }
0xe8: {  	[tilespmem:s24], [sflag:$0x1] =	stream.indirect.gather [hbm4b:s9+s10], $0x1, s23, s10, $0xb8;
	[tilespmem:$0x1C00] =	vst v63  }
0xe9: {  	_ = 	snop  }
0xea: {  	[tilespmem:s26], [sflag:$0x1] =	stream.indirect.gather [hbm4b:s9+s10], $0x1, s25, s10, $0xb8;
	[tilespmem:$0x1C00] =	vst v63  }
0xeb: {  	_ = 	snop  }
0xec: {  	[tilespmem:s29], [sflag:$0x1] =	stream.indirect.gather [hbm4b:s9+s10], $0x1, s28, s10, $0xb8;
	[tilespmem:$0x1C00] =	vst v63  }
0xed: {  	_ =	swait.ge [sflag:s30], $0x80  }
0xee: {  	[sflag:s30] =	ssyncset.done $0x0  }
0xef: {  	[sflag:s30] =	ssyncadd.s32 $0xFFFFFF80  }
0xf0: {  	_ =	swait.ge [sflag:s30], $0x80  }
0xf1: {  	[sflag:s30] =	ssyncset.done $0x0  }
0xf2: {  	[sflag:s30] =	ssyncadd.s32 $0xFFFFFF80  }
0xf3: {  	_ =	swait.ge [sflag:s30], $0x80  }
0xf4: {  	[sflag:s30] =	ssyncset.done $0x0  }
0xf5: {  	[sflag:s30] =	ssyncadd.s32 $0xFFFFFF80  }
0xf6: {  	_ =	swait.ge [sflag:s30], $0x80  }
0xf7: {  	[sflag:s30] =	ssyncset.done $0x0  }
0xf8: {  	[sflag:s30] =	ssyncadd.s32 $0xFFFFFF80  }
0xf9: {  	_ =	swait.ge [sflag:s30], $0x80  }
0xfa: {  	[sflag:s30] =	ssyncset.done $0x0  }
0xfb: {  	[sflag:s30] =	ssyncadd.s32 $0xFFFFFF80  }
0xfc: {  	_ =	swait.ge [sflag:s30], $0x80  }
0xfd: {  	[sflag:s30] =	ssyncset.done $0x0  }
0xfe: {  	[sflag:s30] =	ssyncadd.s32 $0xFFFFFF80  }
0xff: {  	_ =	swait.ge [sflag:s30], $0x80  }
0x100: {  	[sflag:s30] =	ssyncset.done $0x0  }
0x101: {  	[sflag:s30] =	ssyncadd.s32 $0xFFFFFF80  }
0x102: {  	_ =	swait.ge [sflag:s30], $0x80  }
0x103: {  	[sflag:s30] =	ssyncset.done $0x0  }
0x104: {  	[sflag:s30] =	ssyncadd.s32 $0xFFFFFF80  }
0x105: {  	_ =	swait.ge [sflag:s30], $0x80  }
0x106: {  	[sflag:s30] =	ssyncset.done $0x0  }
0x107: {  	[sflag:s30] =	ssyncadd.s32 $0xFFFFFF80  }
0x108: {  	_ =	swait.ge [sflag:s30], $0x80  }
0x109: {  	[sflag:s30] =	ssyncset.done $0x0  }
0x10a: {  	[sflag:s30] =	ssyncadd.s32 $0xFFFFFF80  }
0x10b: {  	_ =	swait.ge [sflag:s30], $0x80  }
0x10c: {  	[sflag:s30] =	ssyncset.done $0x0  }
0x10d: {  	[sflag:s30] =	ssyncadd.s32 $0xFFFFFF80  }
0x10e: {  	_ =	swait.ge [sflag:s30], $0x80  }
0x10f: {  	[sflag:s30] =	ssyncset.done $0x0  }
0x110: {  	[sflag:s30] =	ssyncadd.s32 $0xFFFFFF80  }
0x111: {  	_ =	swait.ge [sflag:s30], $0x80  }
0x112: {  	[sflag:s30] =	ssyncset.done $0x0  }
0x113: {  	[sflag:s30] =	ssyncadd.s32 $0xFFFFFF80  }
0x114: {  	_ =	swait.ge [sflag:s30], $0x80  }
0x115: {  	[sflag:s30] =	ssyncset.done $0x0  }
0x116: {  	[sflag:s30] =	ssyncadd.s32 $0xFFFFFF80  }
0x117: {  	_ =	swait.ge [sflag:s30], $0x80  }
0x118: {  	[sflag:s30] =	ssyncset.done $0x0  }
0x119: {  	[sflag:s30] =	ssyncadd.s32 $0xFFFFFF80  }
0x11a: {  	_ =	swait.ge [sflag:s30], $0x80  }
0x11b: {  	[sflag:s30] =	ssyncset.done $0x0  }
0x11c: {  	[sflag:s30] =	ssyncadd.s32 $0xFFFFFF80  }
0x11d: {  	_ =	swait.ge [sflag:s30], $0x80  }
0x11e: {  	[sflag:s30] =	ssyncset.done $0x0  }
0x11f: {  	[sflag:s30] =	ssyncadd.s32 $0xFFFFFF80  }
0x120: {  	_ =	swait.ge [sflag:s30], $0x80  }
0x121: {  	[sflag:s30] =	ssyncset.done $0x0  }
0x122: {  	[sflag:s30] =	ssyncadd.s32 $0xFFFFFF80  }
0x123: {  	_ =	swait.ge [sflag:s30], $0x80  }
0x124: {  	[sflag:s30] =	ssyncset.done $0x0  }
0x125: {  	[sflag:s30] =	ssyncadd.s32 $0xFFFFFF80  }
0x126: {  	_ =	swait.ge [sflag:s30], $0x80  }
0x127: {  	[sflag:s30] =	ssyncset.done $0x0  }
0x128: {  	[sflag:s30] =	ssyncadd.s32 $0xFFFFFF80  }
0x129: {  	[hbm4b:s3+s2] =	stream.linear.scatter [tilespmem:s11], [sflag:$0x3], $0x400, $0x38;
	[tilespmem:$0x1C00] =	vst v63  }
0x12a: {  	s16 =	rddreg [dreg:$0x8]  }
0x12b: {  	[hbm4b:s16+s2] =	stream.linear.scatter [tilespmem:s12], [sflag:$0x3], $0x400, $0x38;
	[tilespmem:$0x1C00] =	vst v63  }
0x12c: {  	s17 =	rddreg [dreg:$0x9]  }
0x12d: {  	[hbm4b:s17+s2] =	stream.linear.scatter [tilespmem:s13], [sflag:$0x3], $0x400, $0x38;
	[tilespmem:$0x1C00] =	vst v63  }
0x12e: {  	s18 =	rddreg [dreg:$0xa]  }
0x12f: {  	[hbm4b:s18+s2] =	stream.linear.scatter [tilespmem:s14], [sflag:$0x3], $0x400, $0x38;
	[tilespmem:$0x1C00] =	vst v63  }
0x130: {  	_ =	swait.ge [sflag:s31], $0x400  }
0x131: {  	p0 =	sne.s32 s1, $0x1;
	[sflag:s31] =	ssyncset.done $0x0  }
.Ltmp1:
0x132: {  	[sflag:s31] =	ssyncadd.s32 $0xFFFFFC00;
	(pc) =	sbr.rel @p0 .LBB2_1-.Ltmp1, $4  }
0x133: {  	_ =	swait.ge [sflag:s31], $0x400  }
0x134: {  	[sflag:s31] =	ssyncset.done $0x0  }
0x135: {  	[sflag:s31] =	ssyncadd.s32 $0xFFFFFC00  }
0x136: {  	s1 =	sadd.s32 $0xFFFFFFFF, s1;
	_ =	swait.ge [sflag:s31], $0x400  }
.LBB2_2:
0x137: {  	[sflag:s31] =	ssyncset.done $0x0  }
0x138: {  	[sflag:s31] =	ssyncadd.s32 $0xFFFFFC00  }
0x139: {  	_ =	swait.ge [sflag:s31], $0x400  }
0x13a: {  	[sflag:s31] =	ssyncset.done $0x0  }
0x13b: {  	[sflag:s31] =	ssyncadd.s32 $0xFFFFFC00  }
0x13c: {  	_ =	sfence.sel $0x180000  }
0x13d: {  	[bflag:$0x0] =	sbarrier.arrive $0xFFFF  }
0x13e: {  	_ =	strace $0x90000047  }
0x13f: {  	s0 =	stileid.u32;
	[bflag:$0x2] =	sbarrier.arrive $0xFFFF  }
0x140: {  	p0 =	sne.s32 s0, $0x0;
	s0 =	rddreg [dreg:$0x2]  }
0x141: {  	s0 =	sadd.s32 @!p0 $0x100000, s0  }
0x142: {  	[sflag:s0] =	ssyncadd.tile.s32 @!p0 $0x1;
	_ =	shalt  }
.Lfunc_end2:
_tile_overlayer_lowered:
.L_overlay_start_2:
0x143: {  	(tag) =	ssettag $0x2  }
0x144: {  	s0 =	rddreg [dreg:$0x0];
	s2 =	stileid.u32  }
0x145: {  	s1 =	rddreg [dreg:$0x1];
	p0 =	sne.s32 s2, $0x0  }
0x146: {  	s3 =	rddreg [dreg:$0x2];
	[bflag:$0x3] =	sbarrier.arrive $0xFFFF;
	s2 =	simm.s32 @!p0 $0x1C04  }
0x147: {  	[timem:s3], [sflag:s2] =	dma.local @!p0 [hbm:s0], s1  }
0x148: {  	s0 =	simm.s32 @!p0 $0x4  }
0x149: {  	_ =	swait.ge @!p0 [sflag:s0], s1  }
0x14a: {  	s1 =	ssub.s32 @!p0 $0x0, s1;
	[sflag:s0] =	ssyncset.done @!p0 $0x0  }
0x14b: {  	[sflag:s0] =	ssyncadd.s32 @!p0 s1  }
0x14c: {  	[bflag:$0x3] =	sbarrier.arrive $0xFFFF  }
0x14d: {  	_ =	shalt  }

</sc_bundles>
